<compile_context>
chip_gen: v7x
topology: tpu7x:2x2x1
jax: 0.10.2.dev20260603
libtpu: 0.0.44.dev20260713+nightly
codegen_flags: <defaults>
</compile_context>

<pallas_src>
import functools

import jax
import jax.numpy as jnp
import numpy as np
from jax import lax
from jax.experimental import pallas as pl
from jax.experimental.pallas import tpu as pltpu
from jax.experimental.pallas import tpu_sc as plsc

_B, _N, _C = 4, 8192, 16
_NP, _NS = 1024, 32
_R2 = float(np.float32(0.8 * 0.8))
_ROW = 24
_CBLK = 128


def _fps_body(xyz_ref, xyzs_ref, new_ref):
    x = xyz_ref[0, 0]
    y = xyz_ref[0, 1]
    z = xyz_ref[0, 2]
    ii = (lax.broadcasted_iota(jnp.int32, (8, 1024), 0) * 1024
          + lax.broadcasted_iota(jnp.int32, (8, 1024), 1))

    def coords(p):
        return (xyzs_ref[0, 0, p], xyzs_ref[0, 1, p], xyzs_ref[0, 2, p])

    def body(i, st):
        dists, p = st
        lx, ly, lz = coords(p)
        new_ref[0, 0, i - 1] = lx
        new_ref[0, 1, i - 1] = ly
        new_ref[0, 2, i - 1] = lz
        dx = x - lx
        dy = y - ly
        dz = z - lz
        d = (dx * dx + dy * dy) + dz * dz
        dists = jnp.minimum(dists, d)
        m = jnp.max(dists)
        cand = jnp.where(dists == m, ii, _N)
        return dists, jnp.min(cand)

    dists0 = jnp.full((8, 1024), 1e10, jnp.float32)
    _, p = lax.fori_loop(1, _NP, body, (dists0, jnp.int32(0)))
    lx, ly, lz = coords(p)
    new_ref[0, 0, _NP - 1] = lx
    new_ref[0, 1, _NP - 1] = ly
    new_ref[0, 2, _NP - 1] = lz


def _fps(xyz_r, xyzp):
    return pl.pallas_call(
        _fps_body,
        grid=(_B,),
        in_specs=[
            pl.BlockSpec((1, 3, 8, 1024), lambda b: (b, 0, 0, 0)),
            pl.BlockSpec((1, 3, _N), lambda b: (b, 0, 0),
                         memory_space=pltpu.SMEM),
        ],
        out_specs=pl.BlockSpec((1, 3, _NP), lambda b: (b, 0, 0),
                               memory_space=pltpu.SMEM),
        out_shape=jax.ShapeDtypeStruct((_B, 3, _NP), jnp.float32),
    )(xyz_r, xyzp)


def _bq_body(xyzp, newp, table, grouped, cntf,
             px, py, pz, cx, cy, cz, idxbuf, idx32, rows, cntb, sem):
    w = lax.axis_index("s") * 2 + lax.axis_index("c")
    b = w // 8
    c0 = (w % 8) * _CBLK

    pltpu.sync_copy(xyzp.at[b * 3 + 0], px)
    pltpu.sync_copy(xyzp.at[b * 3 + 1], py)
    pltpu.sync_copy(xyzp.at[b * 3 + 2], pz)
    pltpu.sync_copy(newp.at[b * 3 + 0], cx)
    pltpu.sync_copy(newp.at[b * 3 + 1], cy)
    pltpu.sync_copy(newp.at[b * 3 + 2], cz)

    zeros16 = jnp.zeros((16,), jnp.int32)
    lanes = lax.iota(jnp.int32, 16)
    bofs = jnp.full((16,), b * _N, jnp.int32)

    def do_centroid(j, carry):
        cg = c0 + j
        csel = jnp.full((16,), cg, jnp.int32)
        cxv = plsc.load_gather(cx, [csel])
        cyv = plsc.load_gather(cy, [csel])
        czv = plsc.load_gather(cz, [csel])
        idxbuf[pl.ds(0, 16)] = zeros16
        idxbuf[pl.ds(16, 16)] = zeros16
        idxbuf[pl.ds(32, 16)] = zeros16

        def flush(cnt, wprev, iprev):
            plsc.store_compressed(idxbuf.at[pl.ds(jnp.minimum(cnt, _NS), 16)],
                                  iprev, mask=wprev == 1)
            return cnt + jnp.sum(wprev)

        def scan(k, st):
            s, cnt, wprev, iprev = st
            base = s * 1024 + k * 16
            dx = px[pl.ds(base, 16)] - cxv
            dy = py[pl.ds(base, 16)] - cyv
            dz = pz[pl.ds(base, 16)] - czv
            d2 = (dx * dx + dy * dy) + dz * dz
            wi = jnp.where(d2 < _R2, 1, 0).astype(jnp.int32)
            cnt = flush(cnt, wprev, iprev)
            return s, cnt, wi, lanes + base

        def super_cond(st):
            return jnp.logical_and(st[0] < 8, st[1] < _NS)

        def super_step(st):
            s, cnt, wprev, iprev = lax.fori_loop(0, 64, scan, st)
            return s + 1, cnt, wprev, iprev

        _, cnt, wprev, iprev = lax.while_loop(
            super_cond, super_step,
            (jnp.int32(0), jnp.int32(0), zeros16, zeros16))
        cnt = jnp.minimum(flush(cnt, wprev, iprev), _NS)

        idx32[pl.ds(0, 16)] = idxbuf[pl.ds(0, 16)] + bofs
        idx32[pl.ds(16, 16)] = idxbuf[pl.ds(16, 16)] + bofs
        pltpu.async_copy(table.at[idx32], rows, sem).wait()
        pltpu.sync_copy(rows, grouped.at[b, cg])
        plsc.store_scatter(cntb, [jnp.full((16,), j, jnp.int32)],
                           jnp.full((16,), cnt.astype(jnp.float32)))
        return carry

    lax.fori_loop(0, _CBLK, do_centroid, jnp.int32(0))
    pltpu.sync_copy(cntb, cntf.at[w, 0])


_bq_cache = []


def _bq(*args):
    if not _bq_cache:
        _bq_cache.append(_make_bq())
    return _bq_cache[0](*args)


def _make_bq():
    return functools.partial(
        pl.kernel,
        mesh=plsc.VectorSubcoreMesh(core_axis_name="c", subcore_axis_name="s"),
        compiler_params=pltpu.CompilerParams(needs_layout_passes=False,
                                             use_tc_tiling_on_sc=False),
        out_type=(jax.ShapeDtypeStruct((_B, _NP, _NS, _ROW), jnp.float32),
                  jax.ShapeDtypeStruct((_B * 8, 1, _CBLK), jnp.float32)),
        scratch_types=[
        pltpu.VMEM((_N,), jnp.float32),
        pltpu.VMEM((_N,), jnp.float32),
        pltpu.VMEM((_N,), jnp.float32),
        pltpu.VMEM((_NP,), jnp.float32),
        pltpu.VMEM((_NP,), jnp.float32),
        pltpu.VMEM((_NP,), jnp.float32),
        pltpu.VMEM((48,), jnp.int32),
        pltpu.VMEM((_NS,), jnp.int32),
            pltpu.VMEM((_NS, _ROW), jnp.float32),
            pltpu.VMEM((_CBLK,), jnp.float32),
            pltpu.SemaphoreType.DMA,
        ],
    )(_bq_body)


def _mlp_body(g_ref, np_ref, cnt_ref, w1_ref, b1_ref, w2_ref, b2_ref,
              w3_ref, b3_ref, out_ref):
    xg = g_ref[0]
    lane = lax.broadcasted_iota(jnp.int32, (1, 1, _ROW), 2)
    for k in range(3):
        ck = np_ref[0, k, :]
        xg = xg - jnp.where(lane == k, jnp.float32(1.0),
                            jnp.float32(0.0)) * ck[:, None, None]
    x = xg.reshape(_CBLK * _NS, _ROW)
    dot = functools.partial(jnp.dot, preferred_element_type=jnp.float32,
                            precision=lax.Precision.HIGHEST)
    h = jnp.maximum(dot(x, w1_ref[...]) + b1_ref[...], 0.0)
    h = jnp.maximum(dot(h, w2_ref[...]) + b2_ref[...], 0.0)
    h = jnp.maximum(dot(h, w3_ref[...]) + b3_ref[...], 0.0)
    h = h.reshape(_CBLK, _NS, 64)
    slot = lax.broadcasted_iota(jnp.int32, (_CBLK, _NS, 64), 1)
    cnt = cnt_ref[0, 0].astype(jnp.int32)
    h = jnp.where(slot < cnt[:, None, None], h, jnp.float32(0.0))
    out_ref[0] = jnp.max(h, axis=1)


def _mlp(grouped, newp, cntf, w1e, b1r, w2t, b2r, w3t, b3r):
    nblk = _NP // _CBLK
    return pl.pallas_call(
        _mlp_body,
        grid=(_B, nblk),
        in_specs=[
            pl.BlockSpec((1, _CBLK, _NS, _ROW), lambda b, c: (b, c, 0, 0)),
            pl.BlockSpec((1, 3, _CBLK), lambda b, c: (b, 0, c)),
            pl.BlockSpec((1, 1, _CBLK), lambda b, c: (b * 8 + c, 0, 0)),
            pl.BlockSpec((_ROW, 32), lambda b, c: (0, 0)),
            pl.BlockSpec((1, 32), lambda b, c: (0, 0)),
            pl.BlockSpec((32, 32), lambda b, c: (0, 0)),
            pl.BlockSpec((1, 32), lambda b, c: (0, 0)),
            pl.BlockSpec((32, 64), lambda b, c: (0, 0)),
            pl.BlockSpec((1, 64), lambda b, c: (0, 0)),
        ],
        out_specs=pl.BlockSpec((1, _CBLK, 64), lambda b, c: (b, c, 0)),
        out_shape=jax.ShapeDtypeStruct((_B, _NP, 64), jnp.float32),
    )(grouped, newp, cntf, w1e, b1r, w2t, b2r, w3t, b3r)


def kernel(xyz, features, W1, b1, W2, b2, W3, b3):
    xyzp = jnp.transpose(xyz, (0, 2, 1))
    newp = _fps(xyzp.reshape(_B, 3, 8, 1024), xyzp)

    table = jnp.concatenate(
        [xyz, jnp.transpose(features, (0, 2, 1)),
         jnp.zeros((_B, _N, _ROW - 3 - _C), jnp.float32)],
        axis=-1).reshape(_B * _N, _ROW)
    grouped, cntf = _bq(xyzp.reshape(_B * 3, _N), newp.reshape(_B * 3, _NP),
                        table)

    w1e = jnp.concatenate(
        [W1, jnp.zeros((32, _ROW - 3 - _C), jnp.float32)], axis=1).T
    out = _mlp(grouped, newp, cntf, w1e, b1.reshape(1, 32),
               W2.T, b2.reshape(1, 32), W3.T, b3.reshape(1, 64))

    new_xyz = jnp.transpose(newp, (0, 2, 1))
    new_features = jnp.transpose(out, (0, 2, 1))
    return (new_xyz, new_features)

# --- scband reference (transcript-rebuilt; emitter-appended) ---
"""Pipeline reference for scband-pointnet-samodule-fsbase-876173328637 (READ-ONLY COPY).

The authoritative reference and input builder live on the scoring server;
editing this copy changes nothing except your own understanding.
"""

import jax, jax.numpy as jnp
import numpy as np

B, N, C = 4, 8192, 16
NPOINT, RADIUS, NSAMPLE = 1024, 0.8, 32

def furthest_point_sample(xyz, npoint):
    Bb, Nn, _ = xyz.shape
    dists = jnp.full((Bb, Nn), 1e10, dtype=xyz.dtype)
    idxs = jnp.zeros((Bb, npoint), dtype=jnp.int32)
    last = jnp.zeros((Bb,), dtype=jnp.int32)
    def body(i, state):
        dists, idxs, last = state
        last_xyz = jnp.take_along_axis(xyz, last[:, None, None], axis=1)
        d = jnp.sum((xyz - last_xyz) ** 2, axis=-1)
        dists = jnp.minimum(dists, d)
        nxt = jnp.argmax(dists, axis=-1).astype(jnp.int32)
        idxs = idxs.at[:, i].set(nxt)
        return (dists, idxs, nxt)
    dists, idxs, last = jax.lax.fori_loop(1, npoint, body, (dists, idxs, last))
    return idxs

def ball_query(xyz, new_xyz, radius, nsample):
    Bb, Nn, _ = xyz.shape
    d2 = jnp.sum((new_xyz[:, :, None, :] - xyz[:, None, :, :]) ** 2, axis=-1)
    within = d2 < radius * radius
    keys = jnp.where(within, jnp.arange(Nn, dtype=jnp.int32)[None, None, :], Nn)
    order = jnp.sort(keys, axis=-1)[:, :, :nsample]
    cnt = jnp.sum(within, axis=-1)
    first = order[:, :, :1]
    first = jnp.where(first == Nn, 0, first)
    idx = jnp.where(order == Nn, first, order).astype(jnp.int32)
    return cnt, idx

def mlp(x, params):
    for W, b in params:
        x = jax.nn.relu(jnp.einsum('bcsn,oc->bosn', x, W) + b[None, :, None, None])
    return x

def setup_inputs(seed: int = 0):
    key = jax.random.key(seed)
    ks = jax.random.split(key, 8)
    xyz = jax.random.normal(ks[0], (B, N, 3), dtype=jnp.float32)
    features = jax.random.normal(ks[1], (B, C, N), dtype=jnp.float32)
    W1 = jax.random.normal(ks[2], (32, C + 3), dtype=jnp.float32) * 0.1
    b1 = jnp.zeros((32,), dtype=jnp.float32)
    W2 = jax.random.normal(ks[3], (32, 32), dtype=jnp.float32) * 0.1
    b2 = jnp.zeros((32,), dtype=jnp.float32)
    W3 = jax.random.normal(ks[4], (64, 32), dtype=jnp.float32) * 0.1
    b3 = jnp.zeros((64,), dtype=jnp.float32)
    return {"xyz": xyz, "features": features, "W1": W1, "b1": b1, "W2": W2, "b2": b2, "W3": W3, "b3": b3}

def reference(xyz, features, W1, b1, W2, b2, W3, b3):
    Bb = xyz.shape[0]
    sample_idx = furthest_point_sample(xyz, NPOINT)
    new_xyz = jnp.take_along_axis(xyz, sample_idx[:, :, None], axis=1)
    cnt, idx = ball_query(xyz, new_xyz, RADIUS, NSAMPLE)
    idx2 = idx.reshape(Bb, NPOINT * NSAMPLE)
    grouped_xyz = jnp.take_along_axis(xyz, idx2[:, :, None], axis=1).reshape(Bb, NPOINT, NSAMPLE, 3)
    rel = grouped_xyz - new_xyz[:, :, None, :]
    rel = jnp.transpose(rel, (0, 3, 1, 2))
    gf = jnp.take_along_axis(features, idx2[:, None, :], axis=2).reshape(Bb, features.shape[1], NPOINT, NSAMPLE)
    x = jnp.concatenate([rel, gf], axis=1)
    x = mlp(x, [(W1, b1), (W2, b2), (W3, b3)])
    mask = (cnt > 0).astype(x.dtype)[:, None, :, None]
    x = x * mask
    new_features = jnp.max(x, axis=-1)
    return (new_xyz, new_features)

if __name__ == "__main__":
    import jax
    _d = setup_inputs()
    print(jax.jit(kernel)(*tuple(_d.values())))

</pallas_src>

<mosaic_0001>
#map = affine_map<(d0, d1) -> (0, 0)>
#map1 = affine_map<(d0, d1) -> (0, 0, 0, 0)>
#map2 = affine_map<(d0, d1) -> (0, 0, 0)>
module attributes {stable_mosaic.version = 14 : i64} {
  func.func @_bq_body(%arg0: i32, %arg1: i32, %arg2: memref<12x8192xf32, #tpu.memory_space<hbm>>, %arg3: memref<12x1024xf32, #tpu.memory_space<hbm>>, %arg4: memref<32768x24xf32, #tpu.memory_space<hbm>>, %arg5: memref<4x1024x32x24xf32, #tpu.memory_space<hbm>>, %arg6: memref<32x1x128xf32, #tpu.memory_space<hbm>>, %arg7: memref<8192xf32, #tpu.memory_space<vmem>>, %arg8: memref<8192xf32, #tpu.memory_space<vmem>>, %arg9: memref<8192xf32, #tpu.memory_space<vmem>>, %arg10: memref<1024xf32, #tpu.memory_space<vmem>>, %arg11: memref<1024xf32, #tpu.memory_space<vmem>>, %arg12: memref<1024xf32, #tpu.memory_space<vmem>>, %arg13: memref<48xi32, #tpu.memory_space<vmem>>, %arg14: memref<32xi32, #tpu.memory_space<vmem>>, %arg15: memref<32x24xf32, #tpu.memory_space<vmem>>, %arg16: memref<128xf32, #tpu.memory_space<vmem>>, %arg17: memref<!tpu.dma_semaphore, #tpu.memory_space<semaphore_mem>>) attributes {dimension_semantics = [#tpu.dimension_semantics<core_parallel>, #tpu.dimension_semantics<subcore_parallel>], iteration_bounds = array<i64: 2, 16>, scalar_prefetch = 0 : i64, scratch_operands = 11 : i64, tpu.core_type = #tpu.core_type<sc_vector_subcore>, window_params = [{transform_indices = #map}, {transform_indices = #map}, {transform_indices = #map}, {transform_indices = #map1}, {transform_indices = #map2}]} {
    %mul3A = arith.constant 2 : i32
    %mul3A_0 = arith.muli %arg1, %mul3A : i32
    %add3A = arith.addi %mul3A_0, %arg0 : i32
    %jit3A = arith.constant 8 : i32
    %div3A = arith.divsi %add3A, %jit3A : i32
    %sign3A = arith.constant 0 : i32
    %sign3A_1 = arith.cmpi sgt, %add3A, %sign3A : i32
    %sign3A_2 = arith.extui %sign3A_1 : i1 to i32
    %sign3A_3 = arith.constant 0 : i32
    %sign3A_4 = arith.cmpi slt, %add3A, %sign3A_3 : i32
    %sign3A_5 = arith.extui %sign3A_4 : i1 to i32
    %sign3A_6 = arith.subi %sign3A_2, %sign3A_5 : i32
    %sign3A_7 = arith.constant 0 : i32
    %sign3A_8 = arith.cmpi sgt, %jit3A, %sign3A_7 : i32
    %sign3A_9 = arith.extui %sign3A_8 : i1 to i32
    %sign3A_10 = arith.constant 0 : i32
    %sign3A_11 = arith.cmpi slt, %jit3A, %sign3A_10 : i32
    %sign3A_12 = arith.extui %sign3A_11 : i1 to i32
    %sign3A_13 = arith.subi %sign3A_9, %sign3A_12 : i32
    %ne3A = arith.cmpi ne, %sign3A_6, %sign3A_13 : i32
    %rem3A = arith.remsi %add3A, %jit3A : i32
    %ne3A_14 = arith.constant 0 : i32
    %ne3A_15 = arith.cmpi ne, %rem3A, %ne3A_14 : i32
    %and3A = arith.andi %ne3A, %ne3A_15 : i1
    %sub3A = arith.constant 1 : i32
    %sub3A_16 = arith.subi %div3A, %sub3A : i32
    %select_n3A = arith.select %and3A, %sub3A_16, %div3A : i32
    %jit3A_17 = arith.constant 8 : i32
    %eq3A = arith.constant 0 : i32
    %eq3A_18 = arith.cmpi eq, %jit3A_17, %eq3A : i32
    %jit3A_19 = arith.constant 1 : i32
    %select_n3A_20 = arith.select %eq3A_18, %jit3A_19, %jit3A_17 : i32
    %rem3A_21 = arith.remsi %add3A, %select_n3A_20 : i32
    %ne3A_22 = arith.constant 0 : i32
    %ne3A_23 = arith.cmpi ne, %rem3A_21, %ne3A_22 : i32
    %lt3A = arith.constant 0 : i32
    %lt3A_24 = arith.cmpi slt, %rem3A_21, %lt3A : i32
    %lt3A_25 = arith.constant 0 : i32
    %lt3A_26 = arith.cmpi slt, %select_n3A_20, %lt3A_25 : i32
    %ne3A_27 = arith.xori %lt3A_24, %lt3A_26 : i1
    %and3A_28 = arith.andi %ne3A_27, %ne3A_23 : i1
    %add3A_29 = arith.addi %rem3A_21, %select_n3A_20 : i32
    %select_n3A_30 = arith.select %and3A_28, %add3A_29, %rem3A_21 : i32
    %mul3A_31 = arith.constant 128 : i32
    %mul3A_32 = arith.muli %select_n3A_30, %mul3A_31 : i32
    %mul3A_33 = arith.constant 3 : i32
    %mul3A_34 = arith.muli %select_n3A, %mul3A_33 : i32
    %add3A_35 = arith.constant 0 : i32
    %add3A_36 = arith.addi %mul3A_34, %add3A_35 : i32
    "tpu.region"() ({
      %run_scoped3A_66 = tpu.sem_alloc : memref<!tpu.dma_semaphore, #tpu.memory_space<semaphore_mem>>
      %dma_start3A = arith.constant 0 : i32
      %dma_start3A_67 = tpu.memref_slice %arg2[%add3A_36, %dma_start3A] : memref<12x8192xf32, #tpu.memory_space<hbm>> -> memref<1x8192xf32, #tpu.memory_space<hbm>>
      %dma_start3A_68 = tpu.memref_squeeze %dma_start3A_67 : memref<1x8192xf32, #tpu.memory_space<hbm>> -> memref<8192xf32, #tpu.memory_space<hbm>>
      %dma_start3A_69 = arith.constant 0 : i32
      %dma_start3A_70 = tpu.memref_slice %arg2[%add3A_36, %dma_start3A_69] : memref<12x8192xf32, #tpu.memory_space<hbm>> -> memref<1x8192xf32, #tpu.memory_space<hbm>>
      %dma_start3A_71 = tpu.memref_squeeze %dma_start3A_70 : memref<1x8192xf32, #tpu.memory_space<hbm>> -> memref<8192xf32, #tpu.memory_space<hbm>>
      tpu.enqueue_dma source(%dma_start3A_71 : memref<8192xf32, #tpu.memory_space<hbm>>) target(%arg7 : memref<8192xf32, #tpu.memory_space<vmem>>) target_semaphore(%run_scoped3A_66 : memref<!tpu.dma_semaphore, #tpu.memory_space<semaphore_mem>>)
      %dma_wait3A = arith.constant 0 : i32
      %dma_wait3A_72 = tpu.memref_slice %arg2[%add3A_36, %dma_wait3A] : memref<12x8192xf32, #tpu.memory_space<hbm>> -> memref<1x8192xf32, #tpu.memory_space<hbm>>
      %dma_wait3A_73 = tpu.memref_squeeze %dma_wait3A_72 : memref<1x8192xf32, #tpu.memory_space<hbm>> -> memref<8192xf32, #tpu.memory_space<hbm>>
      %dma_wait3A_74 = arith.constant 0 : i32
      %dma_wait3A_75 = tpu.memref_slice %arg2[%add3A_36, %dma_wait3A_74] : memref<12x8192xf32, #tpu.memory_space<hbm>> -> memref<1x8192xf32, #tpu.memory_space<hbm>>
      %dma_wait3A_76 = tpu.memref_squeeze %dma_wait3A_75 : memref<1x8192xf32, #tpu.memory_space<hbm>> -> memref<8192xf32, #tpu.memory_space<hbm>>
      tpu.wait_dma2 semaphore(%run_scoped3A_66 : memref<!tpu.dma_semaphore, #tpu.memory_space<semaphore_mem>>) src(%dma_wait3A_76 : memref<8192xf32, #tpu.memory_space<hbm>>) dst(%arg7 : memref<8192xf32, #tpu.memory_space<vmem>>)
      tpu.yield
    }) : () -> ()
    %mul3A_37 = arith.constant 3 : i32
    %mul3A_38 = arith.muli %select_n3A, %mul3A_37 : i32
    %add3A_39 = arith.constant 1 : i32
    %add3A_40 = arith.addi %mul3A_38, %add3A_39 : i32
    "tpu.region"() ({
      %run_scoped3A_66 = tpu.sem_alloc : memref<!tpu.dma_semaphore, #tpu.memory_space<semaphore_mem>>
      %dma_start3A = arith.constant 0 : i32
      %dma_start3A_67 = tpu.memref_slice %arg2[%add3A_40, %dma_start3A] : memref<12x8192xf32, #tpu.memory_space<hbm>> -> memref<1x8192xf32, #tpu.memory_space<hbm>>
      %dma_start3A_68 = tpu.memref_squeeze %dma_start3A_67 : memref<1x8192xf32, #tpu.memory_space<hbm>> -> memref<8192xf32, #tpu.memory_space<hbm>>
      %dma_start3A_69 = arith.constant 0 : i32
      %dma_start3A_70 = tpu.memref_slice %arg2[%add3A_40, %dma_start3A_69] : memref<12x8192xf32, #tpu.memory_space<hbm>> -> memref<1x8192xf32, #tpu.memory_space<hbm>>
      %dma_start3A_71 = tpu.memref_squeeze %dma_start3A_70 : memref<1x8192xf32, #tpu.memory_space<hbm>> -> memref<8192xf32, #tpu.memory_space<hbm>>
      tpu.enqueue_dma source(%dma_start3A_71 : memref<8192xf32, #tpu.memory_space<hbm>>) target(%arg8 : memref<8192xf32, #tpu.memory_space<vmem>>) target_semaphore(%run_scoped3A_66 : memref<!tpu.dma_semaphore, #tpu.memory_space<semaphore_mem>>)
      %dma_wait3A = arith.constant 0 : i32
      %dma_wait3A_72 = tpu.memref_slice %arg2[%add3A_40, %dma_wait3A] : memref<12x8192xf32, #tpu.memory_space<hbm>> -> memref<1x8192xf32, #tpu.memory_space<hbm>>
      %dma_wait3A_73 = tpu.memref_squeeze %dma_wait3A_72 : memref<1x8192xf32, #tpu.memory_space<hbm>> -> memref<8192xf32, #tpu.memory_space<hbm>>
      %dma_wait3A_74 = arith.constant 0 : i32
      %dma_wait3A_75 = tpu.memref_slice %arg2[%add3A_40, %dma_wait3A_74] : memref<12x8192xf32, #tpu.memory_space<hbm>> -> memref<1x8192xf32, #tpu.memory_space<hbm>>
      %dma_wait3A_76 = tpu.memref_squeeze %dma_wait3A_75 : memref<1x8192xf32, #tpu.memory_space<hbm>> -> memref<8192xf32, #tpu.memory_space<hbm>>
      tpu.wait_dma2 semaphore(%run_scoped3A_66 : memref<!tpu.dma_semaphore, #tpu.memory_space<semaphore_mem>>) src(%dma_wait3A_76 : memref<8192xf32, #tpu.memory_space<hbm>>) dst(%arg8 : memref<8192xf32, #tpu.memory_space<vmem>>)
      tpu.yield
    }) : () -> ()
    %mul3A_41 = arith.constant 3 : i32
    %mul3A_42 = arith.muli %select_n3A, %mul3A_41 : i32
    %add3A_43 = arith.constant 2 : i32
    %add3A_44 = arith.addi %mul3A_42, %add3A_43 : i32
    "tpu.region"() ({
      %run_scoped3A_66 = tpu.sem_alloc : memref<!tpu.dma_semaphore, #tpu.memory_space<semaphore_mem>>
      %dma_start3A = arith.constant 0 : i32
      %dma_start3A_67 = tpu.memref_slice %arg2[%add3A_44, %dma_start3A] : memref<12x8192xf32, #tpu.memory_space<hbm>> -> memref<1x8192xf32, #tpu.memory_space<hbm>>
      %dma_start3A_68 = tpu.memref_squeeze %dma_start3A_67 : memref<1x8192xf32, #tpu.memory_space<hbm>> -> memref<8192xf32, #tpu.memory_space<hbm>>
      %dma_start3A_69 = arith.constant 0 : i32
      %dma_start3A_70 = tpu.memref_slice %arg2[%add3A_44, %dma_start3A_69] : memref<12x8192xf32, #tpu.memory_space<hbm>> -> memref<1x8192xf32, #tpu.memory_space<hbm>>
      %dma_start3A_71 = tpu.memref_squeeze %dma_start3A_70 : memref<1x8192xf32, #tpu.memory_space<hbm>> -> memref<8192xf32, #tpu.memory_space<hbm>>
      tpu.enqueue_dma source(%dma_start3A_71 : memref<8192xf32, #tpu.memory_space<hbm>>) target(%arg9 : memref<8192xf32, #tpu.memory_space<vmem>>) target_semaphore(%run_scoped3A_66 : memref<!tpu.dma_semaphore, #tpu.memory_space<semaphore_mem>>)
      %dma_wait3A = arith.constant 0 : i32
      %dma_wait3A_72 = tpu.memref_slice %arg2[%add3A_44, %dma_wait3A] : memref<12x8192xf32, #tpu.memory_space<hbm>> -> memref<1x8192xf32, #tpu.memory_space<hbm>>
      %dma_wait3A_73 = tpu.memref_squeeze %dma_wait3A_72 : memref<1x8192xf32, #tpu.memory_space<hbm>> -> memref<8192xf32, #tpu.memory_space<hbm>>
      %dma_wait3A_74 = arith.constant 0 : i32
      %dma_wait3A_75 = tpu.memref_slice %arg2[%add3A_44, %dma_wait3A_74] : memref<12x8192xf32, #tpu.memory_space<hbm>> -> memref<1x8192xf32, #tpu.memory_space<hbm>>
      %dma_wait3A_76 = tpu.memref_squeeze %dma_wait3A_75 : memref<1x8192xf32, #tpu.memory_space<hbm>> -> memref<8192xf32, #tpu.memory_space<hbm>>
      tpu.wait_dma2 semaphore(%run_scoped3A_66 : memref<!tpu.dma_semaphore, #tpu.memory_space<semaphore_mem>>) src(%dma_wait3A_76 : memref<8192xf32, #tpu.memory_space<hbm>>) dst(%arg9 : memref<8192xf32, #tpu.memory_space<vmem>>)
      tpu.yield
    }) : () -> ()
    %mul3A_45 = arith.constant 3 : i32
    %mul3A_46 = arith.muli %select_n3A, %mul3A_45 : i32
    %add3A_47 = arith.constant 0 : i32
    %add3A_48 = arith.addi %mul3A_46, %add3A_47 : i32
    "tpu.region"() ({
      %run_scoped3A_66 = tpu.sem_alloc : memref<!tpu.dma_semaphore, #tpu.memory_space<semaphore_mem>>
      %dma_start3A = arith.constant 0 : i32
      %dma_start3A_67 = tpu.memref_slice %arg3[%add3A_48, %dma_start3A] : memref<12x1024xf32, #tpu.memory_space<hbm>> -> memref<1x1024xf32, #tpu.memory_space<hbm>>
      %dma_start3A_68 = tpu.memref_squeeze %dma_start3A_67 : memref<1x1024xf32, #tpu.memory_space<hbm>> -> memref<1024xf32, #tpu.memory_space<hbm>>
      %dma_start3A_69 = arith.constant 0 : i32
      %dma_start3A_70 = tpu.memref_slice %arg3[%add3A_48, %dma_start3A_69] : memref<12x1024xf32, #tpu.memory_space<hbm>> -> memref<1x1024xf32, #tpu.memory_space<hbm>>
      %dma_start3A_71 = tpu.memref_squeeze %dma_start3A_70 : memref<1x1024xf32, #tpu.memory_space<hbm>> -> memref<1024xf32, #tpu.memory_space<hbm>>
      tpu.enqueue_dma source(%dma_start3A_71 : memref<1024xf32, #tpu.memory_space<hbm>>) target(%arg10 : memref<1024xf32, #tpu.memory_space<vmem>>) target_semaphore(%run_scoped3A_66 : memref<!tpu.dma_semaphore, #tpu.memory_space<semaphore_mem>>)
      %dma_wait3A = arith.constant 0 : i32
      %dma_wait3A_72 = tpu.memref_slice %arg3[%add3A_48, %dma_wait3A] : memref<12x1024xf32, #tpu.memory_space<hbm>> -> memref<1x1024xf32, #tpu.memory_space<hbm>>
      %dma_wait3A_73 = tpu.memref_squeeze %dma_wait3A_72 : memref<1x1024xf32, #tpu.memory_space<hbm>> -> memref<1024xf32, #tpu.memory_space<hbm>>
      %dma_wait3A_74 = arith.constant 0 : i32
      %dma_wait3A_75 = tpu.memref_slice %arg3[%add3A_48, %dma_wait3A_74] : memref<12x1024xf32, #tpu.memory_space<hbm>> -> memref<1x1024xf32, #tpu.memory_space<hbm>>
      %dma_wait3A_76 = tpu.memref_squeeze %dma_wait3A_75 : memref<1x1024xf32, #tpu.memory_space<hbm>> -> memref<1024xf32, #tpu.memory_space<hbm>>
      tpu.wait_dma2 semaphore(%run_scoped3A_66 : memref<!tpu.dma_semaphore, #tpu.memory_space<semaphore_mem>>) src(%dma_wait3A_76 : memref<1024xf32, #tpu.memory_space<hbm>>) dst(%arg10 : memref<1024xf32, #tpu.memory_space<vmem>>)
      tpu.yield
    }) : () -> ()
    %mul3A_49 = arith.constant 3 : i32
    %mul3A_50 = arith.muli %select_n3A, %mul3A_49 : i32
    %add3A_51 = arith.constant 1 : i32
    %add3A_52 = arith.addi %mul3A_50, %add3A_51 : i32
    "tpu.region"() ({
      %run_scoped3A_66 = tpu.sem_alloc : memref<!tpu.dma_semaphore, #tpu.memory_space<semaphore_mem>>
      %dma_start3A = arith.constant 0 : i32
      %dma_start3A_67 = tpu.memref_slice %arg3[%add3A_52, %dma_start3A] : memref<12x1024xf32, #tpu.memory_space<hbm>> -> memref<1x1024xf32, #tpu.memory_space<hbm>>
      %dma_start3A_68 = tpu.memref_squeeze %dma_start3A_67 : memref<1x1024xf32, #tpu.memory_space<hbm>> -> memref<1024xf32, #tpu.memory_space<hbm>>
      %dma_start3A_69 = arith.constant 0 : i32
      %dma_start3A_70 = tpu.memref_slice %arg3[%add3A_52, %dma_start3A_69] : memref<12x1024xf32, #tpu.memory_space<hbm>> -> memref<1x1024xf32, #tpu.memory_space<hbm>>
      %dma_start3A_71 = tpu.memref_squeeze %dma_start3A_70 : memref<1x1024xf32, #tpu.memory_space<hbm>> -> memref<1024xf32, #tpu.memory_space<hbm>>
      tpu.enqueue_dma source(%dma_start3A_71 : memref<1024xf32, #tpu.memory_space<hbm>>) target(%arg11 : memref<1024xf32, #tpu.memory_space<vmem>>) target_semaphore(%run_scoped3A_66 : memref<!tpu.dma_semaphore, #tpu.memory_space<semaphore_mem>>)
      %dma_wait3A = arith.constant 0 : i32
      %dma_wait3A_72 = tpu.memref_slice %arg3[%add3A_52, %dma_wait3A] : memref<12x1024xf32, #tpu.memory_space<hbm>> -> memref<1x1024xf32, #tpu.memory_space<hbm>>
      %dma_wait3A_73 = tpu.memref_squeeze %dma_wait3A_72 : memref<1x1024xf32, #tpu.memory_space<hbm>> -> memref<1024xf32, #tpu.memory_space<hbm>>
      %dma_wait3A_74 = arith.constant 0 : i32
      %dma_wait3A_75 = tpu.memref_slice %arg3[%add3A_52, %dma_wait3A_74] : memref<12x1024xf32, #tpu.memory_space<hbm>> -> memref<1x1024xf32, #tpu.memory_space<hbm>>
      %dma_wait3A_76 = tpu.memref_squeeze %dma_wait3A_75 : memref<1x1024xf32, #tpu.memory_space<hbm>> -> memref<1024xf32, #tpu.memory_space<hbm>>
      tpu.wait_dma2 semaphore(%run_scoped3A_66 : memref<!tpu.dma_semaphore, #tpu.memory_space<semaphore_mem>>) src(%dma_wait3A_76 : memref<1024xf32, #tpu.memory_space<hbm>>) dst(%arg11 : memref<1024xf32, #tpu.memory_space<vmem>>)
      tpu.yield
    }) : () -> ()
    %mul3A_53 = arith.constant 3 : i32
    %mul3A_54 = arith.muli %select_n3A, %mul3A_53 : i32
    %add3A_55 = arith.constant 2 : i32
    %add3A_56 = arith.addi %mul3A_54, %add3A_55 : i32
    "tpu.region"() ({
      %run_scoped3A_66 = tpu.sem_alloc : memref<!tpu.dma_semaphore, #tpu.memory_space<semaphore_mem>>
      %dma_start3A = arith.constant 0 : i32
      %dma_start3A_67 = tpu.memref_slice %arg3[%add3A_56, %dma_start3A] : memref<12x1024xf32, #tpu.memory_space<hbm>> -> memref<1x1024xf32, #tpu.memory_space<hbm>>
      %dma_start3A_68 = tpu.memref_squeeze %dma_start3A_67 : memref<1x1024xf32, #tpu.memory_space<hbm>> -> memref<1024xf32, #tpu.memory_space<hbm>>
      %dma_start3A_69 = arith.constant 0 : i32
      %dma_start3A_70 = tpu.memref_slice %arg3[%add3A_56, %dma_start3A_69] : memref<12x1024xf32, #tpu.memory_space<hbm>> -> memref<1x1024xf32, #tpu.memory_space<hbm>>
      %dma_start3A_71 = tpu.memref_squeeze %dma_start3A_70 : memref<1x1024xf32, #tpu.memory_space<hbm>> -> memref<1024xf32, #tpu.memory_space<hbm>>
      tpu.enqueue_dma source(%dma_start3A_71 : memref<1024xf32, #tpu.memory_space<hbm>>) target(%arg12 : memref<1024xf32, #tpu.memory_space<vmem>>) target_semaphore(%run_scoped3A_66 : memref<!tpu.dma_semaphore, #tpu.memory_space<semaphore_mem>>)
      %dma_wait3A = arith.constant 0 : i32
      %dma_wait3A_72 = tpu.memref_slice %arg3[%add3A_56, %dma_wait3A] : memref<12x1024xf32, #tpu.memory_space<hbm>> -> memref<1x1024xf32, #tpu.memory_space<hbm>>
      %dma_wait3A_73 = tpu.memref_squeeze %dma_wait3A_72 : memref<1x1024xf32, #tpu.memory_space<hbm>> -> memref<1024xf32, #tpu.memory_space<hbm>>
      %dma_wait3A_74 = arith.constant 0 : i32
      %dma_wait3A_75 = tpu.memref_slice %arg3[%add3A_56, %dma_wait3A_74] : memref<12x1024xf32, #tpu.memory_space<hbm>> -> memref<1x1024xf32, #tpu.memory_space<hbm>>
      %dma_wait3A_76 = tpu.memref_squeeze %dma_wait3A_75 : memref<1x1024xf32, #tpu.memory_space<hbm>> -> memref<1024xf32, #tpu.memory_space<hbm>>
      tpu.wait_dma2 semaphore(%run_scoped3A_66 : memref<!tpu.dma_semaphore, #tpu.memory_space<semaphore_mem>>) src(%dma_wait3A_76 : memref<1024xf32, #tpu.memory_space<hbm>>) dst(%arg12 : memref<1024xf32, #tpu.memory_space<vmem>>)
      tpu.yield
    }) : () -> ()
    %broadcast_in_dim3A = arith.constant 0 : i32
    %broadcast_in_dim3A_57 = vector.broadcast %broadcast_in_dim3A : i32 to vector<16xi32>
    %iota3A = tpu.iota {dimensions = array<i32: 0>} : vector<16xi32>
    %mul3A_58 = arith.constant 8192 : i32
    %mul3A_59 = arith.muli %select_n3A, %mul3A_58 : i32
    %broadcast_in_dim3A_60 = vector.broadcast %mul3A_59 : i32 to vector<16xi32>
    %scan3A = arith.constant 0 : i32
    %scan3A_61 = arith.constant 0 : i32
    %scan3A_62 = arith.constant 128 : i32
    %scan3A_63 = arith.addi %scan3A_61, %scan3A_62 : i32
    %scan3A_64 = arith.constant 1 : i32
    scf.for %scan3A_66 = %scan3A_61 to %scan3A_63 step %scan3A_64  : i32 {
      %add3A_67 = arith.addi %mul3A_32, %scan3A_66 : i32
      %broadcast_in_dim3A_68 = vector.broadcast %add3A_67 : i32 to vector<16xi32>
      %gather3A = tpu.vector_load_idx %arg10[%broadcast_in_dim3A_68] : memref<1024xf32, #tpu.memory_space<vmem>>[vector<16xi32>], vector<16xf32>,
      %gather3A_69 = tpu.vector_load_idx %arg11[%broadcast_in_dim3A_68] : memref<1024xf32, #tpu.memory_space<vmem>>[vector<16xi32>], vector<16xf32>,
      %gather3A_70 = tpu.vector_load_idx %arg12[%broadcast_in_dim3A_68] : memref<1024xf32, #tpu.memory_space<vmem>>[vector<16xi32>], vector<16xf32>,
      %swap3A = arith.constant 0 : index
      %swap3A_71 = tpu.vector_load %arg13[%swap3A] {strides = array<i32>} : memref<48xi32, #tpu.memory_space<vmem>>, vector<16xi32>,
      tpu.vector_store %arg13[%swap3A], %broadcast_in_dim3A_57 {strides = array<i32>} : memref<48xi32, #tpu.memory_space<vmem>>, vector<16xi32>,
      %swap3A_72 = arith.constant 16 : index
      %swap3A_73 = tpu.vector_load %arg13[%swap3A_72] {strides = array<i32>} : memref<48xi32, #tpu.memory_space<vmem>>, vector<16xi32>,
      tpu.vector_store %arg13[%swap3A_72], %broadcast_in_dim3A_57 {strides = array<i32>} : memref<48xi32, #tpu.memory_space<vmem>>, vector<16xi32>,
      %swap3A_74 = arith.constant 32 : index
      %swap3A_75 = tpu.vector_load %arg13[%swap3A_74] {strides = array<i32>} : memref<48xi32, #tpu.memory_space<vmem>>, vector<16xi32>,
      tpu.vector_store %arg13[%swap3A_74], %broadcast_in_dim3A_57 {strides = array<i32>} : memref<48xi32, #tpu.memory_space<vmem>>, vector<16xi32>,
      %while3A = arith.constant 0 : i32
      %while3A_76 = arith.constant 0 : i32
      %while3A_77:4 = scf.while (%while3A_105 = %while3A, %while3A_106 = %while3A_76, %while3A_107 = %broadcast_in_dim3A_57, %while3A_108 = %broadcast_in_dim3A_57) : (i32, i32, vector<16xi32>, vector<16xi32>) -> (i32, i32, vector<16xi32>, vector<16xi32>) {
        %lt3A_109 = arith.constant 8 : i32
        %lt3A_110 = arith.cmpi slt, %while3A_105, %lt3A_109 : i32
        %lt3A_111 = arith.constant 32 : i32
        %lt3A_112 = arith.cmpi slt, %while3A_106, %lt3A_111 : i32
        %and3A_113 = arith.andi %lt3A_110, %lt3A_112 : i1
        scf.condition(%and3A_113) %while3A_105, %while3A_106, %while3A_107, %while3A_108 : i32, i32, vector<16xi32>, vector<16xi32>
      } do {
      ^bb0(%while3A_105: i32, %while3A_106: i32, %while3A_107: vector<16xi32>, %while3A_108: vector<16xi32>):
        %scan3A_109 = arith.constant 0 : i32
        %scan3A_110 = arith.constant 64 : i32
        %scan3A_111 = arith.addi %scan3A_109, %scan3A_110 : i32
        %scan3A_112 = arith.constant 1 : i32
        %scan3A_113:3 = scf.for %scan3A_117 = %scan3A_109 to %scan3A_111 step %scan3A_112 iter_args(%scan3A_118 = %while3A_106, %scan3A_119 = %while3A_107, %scan3A_120 = %while3A_108) -> (i32, vector<16xi32>, vector<16xi32>)  : i32 {
          %mul3A_121 = arith.constant 1024 : i32
          %mul3A_122 = arith.muli %while3A_105, %mul3A_121 : i32
          %mul3A_123 = arith.constant 16 : i32
          %mul3A_124 = arith.muli %scan3A_117, %mul3A_123 : i32
          %add3A_125 = arith.addi %mul3A_122, %mul3A_124 : i32
          %get3A_126 = arith.index_cast %add3A_125 : i32 to index
          %get3A_127 = tpu.vector_load %arg7[%get3A_126] {strides = array<i32>} : memref<8192xf32, #tpu.memory_space<vmem>>, vector<16xf32>,
          %sub3A_128 = arith.subf %get3A_127, %gather3A : vector<16xf32>
          %get3A_129 = arith.index_cast %add3A_125 : i32 to index
          %get3A_130 = tpu.vector_load %arg8[%get3A_129] {strides = array<i32>} : memref<8192xf32, #tpu.memory_space<vmem>>, vector<16xf32>,
          %sub3A_131 = arith.subf %get3A_130, %gather3A_69 : vector<16xf32>
          %get3A_132 = arith.index_cast %add3A_125 : i32 to index
          %get3A_133 = tpu.vector_load %arg9[%get3A_132] {strides = array<i32>} : memref<8192xf32, #tpu.memory_space<vmem>>, vector<16xf32>,
          %sub3A_134 = arith.subf %get3A_133, %gather3A_70 : vector<16xf32>
          %mul3A_135 = arith.mulf %sub3A_128, %sub3A_128 : vector<16xf32>
          %mul3A_136 = arith.mulf %sub3A_131, %sub3A_131 : vector<16xf32>
          %add3A_137 = arith.addf %mul3A_135, %mul3A_136 : vector<16xf32>
          %mul3A_138 = arith.mulf %sub3A_134, %sub3A_134 : vector<16xf32>
          %add3A_139 = arith.addf %add3A_137, %mul3A_138 : vector<16xf32>
          %lt3A_140 = arith.constant 6.400000e-01 : f32
          %lt3A_141 = vector.broadcast %lt3A_140 : f32 to vector<16xf32>
          %lt3A_142 = arith.cmpf olt, %add3A_139, %lt3A_141 : vector<16xf32>
          %jit3A_143 = arith.constant 1 : i32
          %jit3A_144 = arith.constant 0 : i32
          %broadcast_in_dim3A_145 = vector.broadcast %jit3A_143 : i32 to vector<16xi32>
          %broadcast_in_dim3A_146 = vector.broadcast %jit3A_144 : i32 to vector<16xi32>
          %select_n3A_147 = arith.select %lt3A_142, %broadcast_in_dim3A_145, %broadcast_in_dim3A_146 : vector<16xi1>, vector<16xi32>
          %min3A_148 = arith.constant 32 : i32
          %min3A_149 = arith.minsi %scan3A_118, %min3A_148 : i32
          %eq3A_150 = arith.constant 1 : i32
          %eq3A_151 = vector.broadcast %eq3A_150 : i32 to vector<16xi32>
          %eq3A_152 = arith.cmpi eq, %scan3A_119, %eq3A_151 : vector<16xi32>
          %swap3A_153 = arith.index_cast %min3A_149 : i32 to index
          %swap3A_154 = tpu.vector_load %arg13[%swap3A_153] masked %eq3A_152 {strides = array<i32>} : memref<48xi32, #tpu.memory_space<vmem>>, vector<16xi32>, vector<16xi1>
          tpu.vector_store %arg13[%swap3A_153], %scan3A_120 masked %eq3A_152 {strides = array<i32>} : memref<48xi32, #tpu.memory_space<vmem>>, vector<16xi32>, vector<16xi1>
          %reduce_sum3A_155 = arith.constant true
          %reduce_sum3A_156 = vector.broadcast %reduce_sum3A_155 : i1 to vector<16xi1>
          %reduce_sum3A_157 = tpu.scan <sum>, %scan3A_119 masked %reduce_sum3A_156 : vector<16xi32>, vector<16xi1> -> vector<16xi32>
          %reduce_sum3A_158 = vector.extract %reduce_sum3A_157[15] : i32 from vector<16xi32>
          %add3A_159 = arith.addi %scan3A_118, %reduce_sum3A_158 : i32
          %add3A_160 = vector.broadcast %add3A_125 : i32 to vector<16xi32>
          %add3A_161 = arith.addi %iota3A, %add3A_160 : vector<16xi32>
          scf.yield %add3A_159, %select_n3A_147, %add3A_161 : i32, vector<16xi32>, vector<16xi32>
        }
        %scan3A_114 = arith.constant 64 : i32
        %add3A_115 = arith.constant 1 : i32
        %add3A_116 = arith.addi %while3A_105, %add3A_115 : i32
        scf.yield %add3A_116, %scan3A_113#0, %scan3A_113#1, %scan3A_113#2 : i32, i32, vector<16xi32>, vector<16xi32>
      }
      %min3A = arith.constant 32 : i32
      %min3A_78 = arith.minsi %while3A_77#1, %min3A : i32
      %eq3A_79 = arith.constant 1 : i32
      %eq3A_80 = vector.broadcast %eq3A_79 : i32 to vector<16xi32>
      %eq3A_81 = arith.cmpi eq, %while3A_77#2, %eq3A_80 : vector<16xi32>
      %swap3A_82 = arith.index_cast %min3A_78 : i32 to index
      %swap3A_83 = tpu.vector_load %arg13[%swap3A_82] masked %eq3A_81 {strides = array<i32>} : memref<48xi32, #tpu.memory_space<vmem>>, vector<16xi32>, vector<16xi1>
      tpu.vector_store %arg13[%swap3A_82], %while3A_77#3 masked %eq3A_81 {strides = array<i32>} : memref<48xi32, #tpu.memory_space<vmem>>, vector<16xi32>, vector<16xi1>
      %reduce_sum3A = arith.constant true
      %reduce_sum3A_84 = vector.broadcast %reduce_sum3A : i1 to vector<16xi1>
      %reduce_sum3A_85 = tpu.scan <sum>, %while3A_77#2 masked %reduce_sum3A_84 : vector<16xi32>, vector<16xi1> -> vector<16xi32>
      %reduce_sum3A_86 = vector.extract %reduce_sum3A_85[15] : i32 from vector<16xi32>
      %add3A_87 = arith.addi %while3A_77#1, %reduce_sum3A_86 : i32
      %min3A_88 = arith.constant 32 : i32
      %min3A_89 = arith.minsi %add3A_87, %min3A_88 : i32
      %get3A = arith.constant 0 : index
      %get3A_90 = tpu.vector_load %arg13[%get3A] {strides = array<i32>} : memref<48xi32, #tpu.memory_space<vmem>>, vector<16xi32>,
      %add3A_91 = arith.addi %get3A_90, %broadcast_in_dim3A_60 : vector<16xi32>
      %swap3A_92 = arith.constant 0 : index
      %swap3A_93 = tpu.vector_load %arg14[%swap3A_92] {strides = array<i32>} : memref<32xi32, #tpu.memory_space<vmem>>, vector<16xi32>,
      tpu.vector_store %arg14[%swap3A_92], %add3A_91 {strides = array<i32>} : memref<32xi32, #tpu.memory_space<vmem>>, vector<16xi32>,
      %get3A_94 = arith.constant 16 : index
      %get3A_95 = tpu.vector_load %arg13[%get3A_94] {strides = array<i32>} : memref<48xi32, #tpu.memory_space<vmem>>, vector<16xi32>,
      %add3A_96 = arith.addi %get3A_95, %broadcast_in_dim3A_60 : vector<16xi32>
      %swap3A_97 = arith.constant 16 : index
      %swap3A_98 = tpu.vector_load %arg14[%swap3A_97] {strides = array<i32>} : memref<32xi32, #tpu.memory_space<vmem>>, vector<16xi32>,
      tpu.vector_store %arg14[%swap3A_97], %add3A_96 {strides = array<i32>} : memref<32xi32, #tpu.memory_space<vmem>>, vector<16xi32>,
      %dma_start3A = arith.constant 0 : i32
      %dma_start3A_99 = arith.constant 0 : i32
      %dma_start3A_100 = tpu.memref_slice %arg4[%dma_start3A, %dma_start3A_99] : memref<32768x24xf32, #tpu.memory_space<hbm>> -> memref<32768x24xf32, #tpu.memory_space<hbm>>
      tpu.enqueue_indirect_dma source(%dma_start3A_100 : memref<32768x24xf32, #tpu.memory_space<hbm>>) target(%arg15 : memref<32x24xf32, #tpu.memory_space<vmem>>) offsets(%arg14 : memref<32xi32, #tpu.memory_space<vmem>>) semaphore(%arg17 : memref<!tpu.dma_semaphore, #tpu.memory_space<semaphore_mem>>)
      %dma_wait3A = arith.constant 0 : i32
      %dma_wait3A_101 = arith.constant 0 : i32
      %dma_wait3A_102 = tpu.memref_slice %arg4[%dma_wait3A, %dma_wait3A_101] : memref<32768x24xf32, #tpu.memory_space<hbm>> -> memref<32768x24xf32, #tpu.memory_space<hbm>>
      tpu.wait_indirect_dma semaphore(%arg17 : memref<!tpu.dma_semaphore, #tpu.memory_space<semaphore_mem>>) src(%dma_wait3A_102 : memref<32768x24xf32, #tpu.memory_space<hbm>>) dst(%arg15 : memref<32x24xf32, #tpu.memory_space<vmem>>)
      "tpu.region"() ({
        %run_scoped3A_105 = tpu.sem_alloc : memref<!tpu.dma_semaphore, #tpu.memory_space<semaphore_mem>>
        %dma_start3A_106 = arith.constant 0 : i32
        %dma_start3A_107 = arith.constant 0 : i32
        %dma_start3A_108 = tpu.memref_slice %arg5[%select_n3A, %add3A_67, %dma_start3A_106, %dma_start3A_107] : memref<4x1024x32x24xf32, #tpu.memory_space<hbm>> -> memref<1x1x32x24xf32, #tpu.memory_space<hbm>>
        %dma_start3A_109 = tpu.memref_squeeze %dma_start3A_108 : memref<1x1x32x24xf32, #tpu.memory_space<hbm>> -> memref<32x24xf32, #tpu.memory_space<hbm>>
        %dma_start3A_110 = arith.constant 0 : i32
        %dma_start3A_111 = arith.constant 0 : i32
        %dma_start3A_112 = tpu.memref_slice %arg5[%select_n3A, %add3A_67, %dma_start3A_110, %dma_start3A_111] : memref<4x1024x32x24xf32, #tpu.memory_space<hbm>> -> memref<1x1x32x24xf32, #tpu.memory_space<hbm>>
        %dma_start3A_113 = tpu.memref_squeeze %dma_start3A_112 : memref<1x1x32x24xf32, #tpu.memory_space<hbm>> -> memref<32x24xf32, #tpu.memory_space<hbm>>
        tpu.enqueue_dma source(%arg15 : memref<32x24xf32, #tpu.memory_space<vmem>>) target(%dma_start3A_113 : memref<32x24xf32, #tpu.memory_space<hbm>>) target_semaphore(%run_scoped3A_105 : memref<!tpu.dma_semaphore, #tpu.memory_space<semaphore_mem>>)
        %dma_wait3A_114 = arith.constant 0 : i32
        %dma_wait3A_115 = arith.constant 0 : i32
        %dma_wait3A_116 = tpu.memref_slice %arg5[%select_n3A, %add3A_67, %dma_wait3A_114, %dma_wait3A_115] : memref<4x1024x32x24xf32, #tpu.memory_space<hbm>> -> memref<1x1x32x24xf32, #tpu.memory_space<hbm>>
        %dma_wait3A_117 = tpu.memref_squeeze %dma_wait3A_116 : memref<1x1x32x24xf32, #tpu.memory_space<hbm>> -> memref<32x24xf32, #tpu.memory_space<hbm>>
        %dma_wait3A_118 = arith.constant 0 : i32
        %dma_wait3A_119 = arith.constant 0 : i32
        %dma_wait3A_120 = tpu.memref_slice %arg5[%select_n3A, %add3A_67, %dma_wait3A_118, %dma_wait3A_119] : memref<4x1024x32x24xf32, #tpu.memory_space<hbm>> -> memref<1x1x32x24xf32, #tpu.memory_space<hbm>>
        %dma_wait3A_121 = tpu.memref_squeeze %dma_wait3A_120 : memref<1x1x32x24xf32, #tpu.memory_space<hbm>> -> memref<32x24xf32, #tpu.memory_space<hbm>>
        tpu.wait_dma2 semaphore(%run_scoped3A_105 : memref<!tpu.dma_semaphore, #tpu.memory_space<semaphore_mem>>) src(%arg15 : memref<32x24xf32, #tpu.memory_space<vmem>>) dst(%dma_wait3A_121 : memref<32x24xf32, #tpu.memory_space<hbm>>)
        tpu.yield
      }) : () -> ()
      %broadcast_in_dim3A_103 = vector.broadcast %scan3A_66 : i32 to vector<16xi32>
      %convert_element_type3A = arith.sitofp %min3A_89 : i32 to f32
      %broadcast_in_dim3A_104 = vector.broadcast %convert_element_type3A : f32 to vector<16xf32>
      tpu.vector_store_idx %arg16[%broadcast_in_dim3A_103], %broadcast_in_dim3A_104 : memref<128xf32, #tpu.memory_space<vmem>>[vector<16xi32>], vector<16xf32>,
    }
    %scan3A_65 = arith.constant 128 : i32
    %run_scoped3A = arith.constant 0 : i32
    "tpu.region"() ({
      %run_scoped3A_66 = tpu.sem_alloc : memref<!tpu.dma_semaphore, #tpu.memory_space<semaphore_mem>>
      %dma_start3A = arith.constant 0 : i32
      %dma_start3A_67 = tpu.memref_slice %arg6[%add3A, %run_scoped3A, %dma_start3A] : memref<32x1x128xf32, #tpu.memory_space<hbm>> -> memref<1x1x128xf32, #tpu.memory_space<hbm>>
      %dma_start3A_68 = tpu.memref_squeeze %dma_start3A_67 : memref<1x1x128xf32, #tpu.memory_space<hbm>> -> memref<128xf32, #tpu.memory_space<hbm>>
      %dma_start3A_69 = arith.constant 0 : i32
      %dma_start3A_70 = tpu.memref_slice %arg6[%add3A, %run_scoped3A, %dma_start3A_69] : memref<32x1x128xf32, #tpu.memory_space<hbm>> -> memref<1x1x128xf32, #tpu.memory_space<hbm>>
      %dma_start3A_71 = tpu.memref_squeeze %dma_start3A_70 : memref<1x1x128xf32, #tpu.memory_space<hbm>> -> memref<128xf32, #tpu.memory_space<hbm>>
      tpu.enqueue_dma source(%arg16 : memref<128xf32, #tpu.memory_space<vmem>>) target(%dma_start3A_71 : memref<128xf32, #tpu.memory_space<hbm>>) target_semaphore(%run_scoped3A_66 : memref<!tpu.dma_semaphore, #tpu.memory_space<semaphore_mem>>)
      %dma_wait3A = arith.constant 0 : i32
      %dma_wait3A_72 = tpu.memref_slice %arg6[%add3A, %run_scoped3A, %dma_wait3A] : memref<32x1x128xf32, #tpu.memory_space<hbm>> -> memref<1x1x128xf32, #tpu.memory_space<hbm>>
      %dma_wait3A_73 = tpu.memref_squeeze %dma_wait3A_72 : memref<1x1x128xf32, #tpu.memory_space<hbm>> -> memref<128xf32, #tpu.memory_space<hbm>>
      %dma_wait3A_74 = arith.constant 0 : i32
      %dma_wait3A_75 = tpu.memref_slice %arg6[%add3A, %run_scoped3A, %dma_wait3A_74] : memref<32x1x128xf32, #tpu.memory_space<hbm>> -> memref<1x1x128xf32, #tpu.memory_space<hbm>>
      %dma_wait3A_76 = tpu.memref_squeeze %dma_wait3A_75 : memref<1x1x128xf32, #tpu.memory_space<hbm>> -> memref<128xf32, #tpu.memory_space<hbm>>
      tpu.wait_dma2 semaphore(%run_scoped3A_66 : memref<!tpu.dma_semaphore, #tpu.memory_space<semaphore_mem>>) src(%arg16 : memref<128xf32, #tpu.memory_space<vmem>>) dst(%dma_wait3A_76 : memref<128xf32, #tpu.memory_space<hbm>>)
      tpu.yield
    }) : () -> ()
    return
  }
}

module attributes {stable_mosaic.version = 14 : i64} {
  func.func @_fps_body(%arg0: i32, %arg1: memref<1x3x8x1024xf32, #tpu.memory_space<vmem>>, %arg2: memref<1x3x8192xf32, #tpu.memory_space<smem>>, %arg3: memref<1x3x1024xf32, #tpu.memory_space<smem>>) attributes {dimension_semantics = [#tpu.dimension_semantics<arbitrary>], iteration_bounds = array<i64: 4>, scalar_prefetch = 0 : i64, scratch_operands = 0 : i64, tpu.core_type = #tpu.core_type<tc>, window_params = [{transform_indices = @transform_0, window_bounds = array<i64: 1, 3, 8, 1024>}, {transform_indices = @transform_1, window_bounds = array<i64: 1, 3, 8192>}, {transform_indices = @transform_2, window_bounds = array<i64: 1, 3, 1024>}]} {
    %get3A = arith.constant 0 : index
    %get3A_0 = arith.constant 0 : index
    %get3A_1 = arith.constant 0 : index
    %get3A_2 = arith.constant 0 : index
    %get3A_3 = vector.load %arg1[%get3A, %get3A_0, %get3A_1, %get3A_2] : memref<1x3x8x1024xf32, #tpu.memory_space<vmem>>, vector<1x1x8x1024xf32>
    %get3A_4 = vector.shape_cast %get3A_3 : vector<1x1x8x1024xf32> to vector<8x1024xf32>
    %get3A_5 = arith.constant 0 : index
    %get3A_6 = arith.constant 1 : index
    %get3A_7 = arith.constant 0 : index
    %get3A_8 = arith.constant 0 : index
    %get3A_9 = vector.load %arg1[%get3A_5, %get3A_6, %get3A_7, %get3A_8] : memref<1x3x8x1024xf32, #tpu.memory_space<vmem>>, vector<1x1x8x1024xf32>
    %get3A_10 = vector.shape_cast %get3A_9 : vector<1x1x8x1024xf32> to vector<8x1024xf32>
    %get3A_11 = arith.constant 0 : index
    %get3A_12 = arith.constant 2 : index
    %get3A_13 = arith.constant 0 : index
    %get3A_14 = arith.constant 0 : index
    %get3A_15 = vector.load %arg1[%get3A_11, %get3A_12, %get3A_13, %get3A_14] : memref<1x3x8x1024xf32, #tpu.memory_space<vmem>>, vector<1x1x8x1024xf32>
    %get3A_16 = vector.shape_cast %get3A_15 : vector<1x1x8x1024xf32> to vector<8x1024xf32>
    %iota3A = tpu.iota {dimensions = array<i32: 0>} : vector<8x1024xi32>
    %mul3A = arith.constant 1024 : i32
    %mul3A_17 = vector.broadcast %mul3A : i32 to vector<8x1024xi32>
    %mul3A_18 = arith.muli %iota3A, %mul3A_17 : vector<8x1024xi32>
    %iota3A_19 = tpu.iota {dimensions = array<i32: 1>} : vector<8x1024xi32>
    %add3A = arith.addi %mul3A_18, %iota3A_19 : vector<8x1024xi32>
    %broadcast_in_dim3A = arith.constant 1.000000e+10 : f32
    %broadcast_in_dim3A_20 = vector.broadcast %broadcast_in_dim3A : f32 to vector<8x1024xf32>
    %scan3A = arith.constant 0 : i32
    %scan3A_21 = arith.constant 1 : i32
    %scan3A_22 = arith.constant 1023 : i32
    %scan3A_23 = arith.addi %scan3A_21, %scan3A_22 : i32
    %scan3A_24 = arith.constant 1 : i32
    %scan3A_25:2 = scf.for %scan3A_50 = %scan3A_21 to %scan3A_23 step %scan3A_24 iter_args(%scan3A_51 = %broadcast_in_dim3A_20, %scan3A_52 = %scan3A) -> (vector<8x1024xf32>, i32)  : i32 {
      %get3A_53 = arith.constant 0 : index
      %get3A_54 = arith.constant 0 : index
      %get3A_55 = arith.index_cast %scan3A_52 : i32 to index
      %get3A_56 = memref.load %arg2[%get3A_53, %get3A_54, %get3A_55] : memref<1x3x8192xf32, #tpu.memory_space<smem>>
      %get3A_57 = arith.constant 0 : index
      %get3A_58 = arith.constant 1 : index
      %get3A_59 = arith.index_cast %scan3A_52 : i32 to index
      %get3A_60 = memref.load %arg2[%get3A_57, %get3A_58, %get3A_59] : memref<1x3x8192xf32, #tpu.memory_space<smem>>
      %get3A_61 = arith.constant 0 : index
      %get3A_62 = arith.constant 2 : index
      %get3A_63 = arith.index_cast %scan3A_52 : i32 to index
      %get3A_64 = memref.load %arg2[%get3A_61, %get3A_62, %get3A_63] : memref<1x3x8192xf32, #tpu.memory_space<smem>>
      %sub3A = arith.constant 1 : i32
      %sub3A_65 = arith.subi %scan3A_50, %sub3A : i32
      %swap3A_66 = arith.constant 0 : index
      %swap3A_67 = arith.constant 0 : index
      %swap3A_68 = arith.index_cast %sub3A_65 : i32 to index
      %swap3A_69 = memref.load %arg3[%swap3A_66, %swap3A_67, %swap3A_68] : memref<1x3x1024xf32, #tpu.memory_space<smem>>
      memref.store %get3A_56, %arg3[%swap3A_66, %swap3A_67, %swap3A_68] : memref<1x3x1024xf32, #tpu.memory_space<smem>>
      %sub3A_70 = arith.constant 1 : i32
      %sub3A_71 = arith.subi %scan3A_50, %sub3A_70 : i32
      %swap3A_72 = arith.constant 0 : index
      %swap3A_73 = arith.constant 1 : index
      %swap3A_74 = arith.index_cast %sub3A_71 : i32 to index
      %swap3A_75 = memref.load %arg3[%swap3A_72, %swap3A_73, %swap3A_74] : memref<1x3x1024xf32, #tpu.memory_space<smem>>
      memref.store %get3A_60, %arg3[%swap3A_72, %swap3A_73, %swap3A_74] : memref<1x3x1024xf32, #tpu.memory_space<smem>>
      %sub3A_76 = arith.constant 1 : i32
      %sub3A_77 = arith.subi %scan3A_50, %sub3A_76 : i32
      %swap3A_78 = arith.constant 0 : index
      %swap3A_79 = arith.constant 2 : index
      %swap3A_80 = arith.index_cast %sub3A_77 : i32 to index
      %swap3A_81 = memref.load %arg3[%swap3A_78, %swap3A_79, %swap3A_80] : memref<1x3x1024xf32, #tpu.memory_space<smem>>
      memref.store %get3A_64, %arg3[%swap3A_78, %swap3A_79, %swap3A_80] : memref<1x3x1024xf32, #tpu.memory_space<smem>>
      %sub3A_82 = vector.broadcast %get3A_56 : f32 to vector<8x1024xf32>
      %sub3A_83 = arith.subf %get3A_4, %sub3A_82 : vector<8x1024xf32>
      %sub3A_84 = vector.broadcast %get3A_60 : f32 to vector<8x1024xf32>
      %sub3A_85 = arith.subf %get3A_10, %sub3A_84 : vector<8x1024xf32>
      %sub3A_86 = vector.broadcast %get3A_64 : f32 to vector<8x1024xf32>
      %sub3A_87 = arith.subf %get3A_16, %sub3A_86 : vector<8x1024xf32>
      %mul3A_88 = arith.mulf %sub3A_83, %sub3A_83 : vector<8x1024xf32>
      %mul3A_89 = arith.mulf %sub3A_85, %sub3A_85 : vector<8x1024xf32>
      %add3A_90 = arith.addf %mul3A_88, %mul3A_89 : vector<8x1024xf32>
      %mul3A_91 = arith.mulf %sub3A_87, %sub3A_87 : vector<8x1024xf32>
      %add3A_92 = arith.addf %add3A_90, %mul3A_91 : vector<8x1024xf32>
      %min3A = arith.minimumf %scan3A_51, %add3A_92 : vector<8x1024xf32>
      %reduce_max3A = vector.shape_cast %min3A : vector<8x1024xf32> to vector<1x8x1024xf32>
      %reduce_max3A_93 = arith.constant dense<0xFF800000> : vector<1xf32>
      %reduce_max3A_94 = vector.multi_reduction <maximumf>, %reduce_max3A, %reduce_max3A_93 [1, 2] : vector<1x8x1024xf32> to vector<1xf32>
      %reduce_max3A_95 = vector.shape_cast %reduce_max3A_94 : vector<1xf32> to vector<1x1x1xf32>
      %reduce_max3A_96 = vector.extract %reduce_max3A_95[0, 0, 0] : f32 from vector<1x1x1xf32>
      %eq3A = vector.broadcast %reduce_max3A_96 : f32 to vector<8x1024xf32>
      %eq3A_97 = arith.cmpf oeq, %min3A, %eq3A : vector<8x1024xf32>
      %jit3A = arith.constant 8192 : i32
      %broadcast_in_dim3A_98 = vector.broadcast %jit3A : i32 to vector<8x1024xi32>
      %select_n3A = arith.select %eq3A_97, %add3A, %broadcast_in_dim3A_98 : vector<8x1024xi1>, vector<8x1024xi32>
      %reduce_min3A = vector.shape_cast %select_n3A : vector<8x1024xi32> to vector<1x8x1024xi32>
      %reduce_min3A_99 = arith.constant dense<2147483647> : vector<1xi32>
      %reduce_min3A_100 = vector.multi_reduction <minsi>, %reduce_min3A, %reduce_min3A_99 [1, 2] : vector<1x8x1024xi32> to vector<1xi32>
      %reduce_min3A_101 = vector.shape_cast %reduce_min3A_100 : vector<1xi32> to vector<1x1x1xi32>
      %reduce_min3A_102 = vector.extract %reduce_min3A_101[0, 0, 0] : i32 from vector<1x1x1xi32>
      scf.yield %min3A, %reduce_min3A_102 : vector<8x1024xf32>, i32
    }
    %scan3A_26 = arith.constant 1023 : i32
    %get3A_27 = arith.constant 0 : index
    %get3A_28 = arith.constant 0 : index
    %get3A_29 = arith.index_cast %scan3A_25#1 : i32 to index
    %get3A_30 = memref.load %arg2[%get3A_27, %get3A_28, %get3A_29] : memref<1x3x8192xf32, #tpu.memory_space<smem>>
    %get3A_31 = arith.constant 0 : index
    %get3A_32 = arith.constant 1 : index
    %get3A_33 = arith.index_cast %scan3A_25#1 : i32 to index
    %get3A_34 = memref.load %arg2[%get3A_31, %get3A_32, %get3A_33] : memref<1x3x8192xf32, #tpu.memory_space<smem>>
    %get3A_35 = arith.constant 0 : index
    %get3A_36 = arith.constant 2 : index
    %get3A_37 = arith.index_cast %scan3A_25#1 : i32 to index
    %get3A_38 = memref.load %arg2[%get3A_35, %get3A_36, %get3A_37] : memref<1x3x8192xf32, #tpu.memory_space<smem>>
    %swap3A = arith.constant 0 : index
    %swap3A_39 = arith.constant 0 : index
    %swap3A_40 = arith.constant 1023 : index
    %swap3A_41 = memref.load %arg3[%swap3A, %swap3A_39, %swap3A_40] : memref<1x3x1024xf32, #tpu.memory_space<smem>>
    memref.store %get3A_30, %arg3[%swap3A, %swap3A_39, %swap3A_40] : memref<1x3x1024xf32, #tpu.memory_space<smem>>
    %swap3A_42 = arith.constant 0 : index
    %swap3A_43 = arith.constant 1 : index
    %swap3A_44 = arith.constant 1023 : index
    %swap3A_45 = memref.load %arg3[%swap3A_42, %swap3A_43, %swap3A_44] : memref<1x3x1024xf32, #tpu.memory_space<smem>>
    memref.store %get3A_34, %arg3[%swap3A_42, %swap3A_43, %swap3A_44] : memref<1x3x1024xf32, #tpu.memory_space<smem>>
    %swap3A_46 = arith.constant 0 : index
    %swap3A_47 = arith.constant 2 : index
    %swap3A_48 = arith.constant 1023 : index
    %swap3A_49 = memref.load %arg3[%swap3A_46, %swap3A_47, %swap3A_48] : memref<1x3x1024xf32, #tpu.memory_space<smem>>
    memref.store %get3A_38, %arg3[%swap3A_46, %swap3A_47, %swap3A_48] : memref<1x3x1024xf32, #tpu.memory_space<smem>>
    return
  }
  func.func @transform_0(%arg0: i32) -> (i32, i32, i32, i32) {
    %c0_i32 = arith.constant 0 : i32
    %c0_i32_0 = arith.constant 0 : i32
    %c0_i32_1 = arith.constant 0 : i32
    %c0_i32_2 = arith.constant 0 : i32
    return %arg0, %c0_i32, %c0_i32_0, %c0_i32_1 : i32, i32, i32, i32
  }
  func.func @transform_1(%arg0: i32) -> (i32, i32, i32) {
    %c0_i32 = arith.constant 0 : i32
    %c0_i32_0 = arith.constant 0 : i32
    %c0_i32_1 = arith.constant 0 : i32
    return %arg0, %c0_i32, %c0_i32_0 : i32, i32, i32
  }
  func.func @transform_2(%arg0: i32) -> (i32, i32, i32) {
    %c0_i32 = arith.constant 0 : i32
    %c0_i32_0 = arith.constant 0 : i32
    %c0_i32_1 = arith.constant 0 : i32
    return %arg0, %c0_i32, %c0_i32_0 : i32, i32, i32
  }
}

module attributes {stable_mosaic.version = 14 : i64} {
  func.func @_mlp_body(%arg0: i32, %arg1: i32, %arg2: memref<1x128x32x24xf32, #tpu.memory_space<vmem>>, %arg3: memref<1x3x128xf32, #tpu.memory_space<vmem>>, %arg4: memref<1x1x128xf32, #tpu.memory_space<vmem>>, %arg5: memref<24x32xf32, #tpu.memory_space<vmem>>, %arg6: memref<1x32xf32, #tpu.memory_space<vmem>>, %arg7: memref<32x32xf32, #tpu.memory_space<vmem>>, %arg8: memref<1x32xf32, #tpu.memory_space<vmem>>, %arg9: memref<32x64xf32, #tpu.memory_space<vmem>>, %arg10: memref<1x64xf32, #tpu.memory_space<vmem>>, %arg11: memref<1x128x64xf32, #tpu.memory_space<vmem>>) attributes {dimension_semantics = [#tpu.dimension_semantics<arbitrary>, #tpu.dimension_semantics<arbitrary>], iteration_bounds = array<i64: 4, 8>, scalar_prefetch = 0 : i64, scratch_operands = 0 : i64, tpu.core_type = #tpu.core_type<tc>, window_params = [{transform_indices = @transform_0, window_bounds = array<i64: 1, 128, 32, 24>}, {transform_indices = @transform_1, window_bounds = array<i64: 1, 3, 128>}, {transform_indices = @transform_2, window_bounds = array<i64: 1, 1, 128>}, {pipeline_mode = #tpu.pipeline_mode<synchronous>, transform_indices = @transform_3, window_bounds = array<i64: 24, 32>}, {pipeline_mode = #tpu.pipeline_mode<synchronous>, transform_indices = @transform_4, window_bounds = array<i64: 1, 32>}, {pipeline_mode = #tpu.pipeline_mode<synchronous>, transform_indices = @transform_5, window_bounds = array<i64: 32, 32>}, {pipeline_mode = #tpu.pipeline_mode<synchronous>, transform_indices = @transform_6, window_bounds = array<i64: 1, 32>}, {pipeline_mode = #tpu.pipeline_mode<synchronous>, transform_indices = @transform_7, window_bounds = array<i64: 32, 64>}, {pipeline_mode = #tpu.pipeline_mode<synchronous>, transform_indices = @transform_8, window_bounds = array<i64: 1, 64>}, {transform_indices = @transform_9, window_bounds = array<i64: 1, 128, 64>}]} {
    %get3A = arith.constant 0 : index
    %get3A_0 = arith.constant 0 : index
    %get3A_1 = arith.constant 0 : index
    %get3A_2 = arith.constant 0 : index
    %get3A_3 = vector.load %arg2[%get3A, %get3A_0, %get3A_1, %get3A_2] : memref<1x128x32x24xf32, #tpu.memory_space<vmem>>, vector<1x128x32x24xf32>
    %get3A_4 = vector.shape_cast %get3A_3 : vector<1x128x32x24xf32> to vector<128x32x24xf32>
    %iota3A = tpu.iota {dimensions = array<i32: 2>} : vector<1x1x24xi32>
    %get3A_5 = arith.constant 0 : index
    %get3A_6 = arith.constant 0 : index
    %get3A_7 = arith.constant 0 : index
    %get3A_8 = vector.load %arg3[%get3A_5, %get3A_6, %get3A_7] : memref<1x3x128xf32, #tpu.memory_space<vmem>>, vector<1x1x128xf32>
    %get3A_9 = vector.shape_cast %get3A_8 : vector<1x1x128xf32> to vector<128xf32>
    %eq3A = arith.constant 0 : i32
    %eq3A_10 = vector.broadcast %eq3A : i32 to vector<1x1x24xi32>
    %eq3A_11 = arith.cmpi eq, %iota3A, %eq3A_10 : vector<1x1x24xi32>
    %jit3A = arith.constant 1.000000e+00 : f32
    %jit3A_12 = arith.constant 0.000000e+00 : f32
    %broadcast_in_dim3A = vector.broadcast %jit3A : f32 to vector<1x1x24xf32>
    %broadcast_in_dim3A_13 = vector.broadcast %jit3A_12 : f32 to vector<1x1x24xf32>
    %select_n3A = arith.select %eq3A_11, %broadcast_in_dim3A, %broadcast_in_dim3A_13 : vector<1x1x24xi1>, vector<1x1x24xf32>
    %broadcast_in_dim3A_14 = vector.shape_cast %get3A_9 : vector<128xf32> to vector<128x1x1xf32>
    %mul3A = vector.broadcast %select_n3A : vector<1x1x24xf32> to vector<128x1x24xf32>
    %mul3A_15 = vector.broadcast %broadcast_in_dim3A_14 : vector<128x1x1xf32> to vector<128x1x24xf32>
    %mul3A_16 = arith.mulf %mul3A, %mul3A_15 : vector<128x1x24xf32>
    %sub3A = vector.broadcast %mul3A_16 : vector<128x1x24xf32> to vector<128x32x24xf32>
    %sub3A_17 = arith.subf %get3A_4, %sub3A : vector<128x32x24xf32>
    %get3A_18 = arith.constant 0 : index
    %get3A_19 = arith.constant 1 : index
    %get3A_20 = arith.constant 0 : index
    %get3A_21 = vector.load %arg3[%get3A_18, %get3A_19, %get3A_20] : memref<1x3x128xf32, #tpu.memory_space<vmem>>, vector<1x1x128xf32>
    %get3A_22 = vector.shape_cast %get3A_21 : vector<1x1x128xf32> to vector<128xf32>
    %eq3A_23 = arith.constant 1 : i32
    %eq3A_24 = vector.broadcast %eq3A_23 : i32 to vector<1x1x24xi32>
    %eq3A_25 = arith.cmpi eq, %iota3A, %eq3A_24 : vector<1x1x24xi32>
    %jit3A_26 = arith.constant 1.000000e+00 : f32
    %jit3A_27 = arith.constant 0.000000e+00 : f32
    %broadcast_in_dim3A_28 = vector.broadcast %jit3A_26 : f32 to vector<1x1x24xf32>
    %broadcast_in_dim3A_29 = vector.broadcast %jit3A_27 : f32 to vector<1x1x24xf32>
    %select_n3A_30 = arith.select %eq3A_25, %broadcast_in_dim3A_28, %broadcast_in_dim3A_29 : vector<1x1x24xi1>, vector<1x1x24xf32>
    %broadcast_in_dim3A_31 = vector.shape_cast %get3A_22 : vector<128xf32> to vector<128x1x1xf32>
    %mul3A_32 = vector.broadcast %select_n3A_30 : vector<1x1x24xf32> to vector<128x1x24xf32>
    %mul3A_33 = vector.broadcast %broadcast_in_dim3A_31 : vector<128x1x1xf32> to vector<128x1x24xf32>
    %mul3A_34 = arith.mulf %mul3A_32, %mul3A_33 : vector<128x1x24xf32>
    %sub3A_35 = vector.broadcast %mul3A_34 : vector<128x1x24xf32> to vector<128x32x24xf32>
    %sub3A_36 = arith.subf %sub3A_17, %sub3A_35 : vector<128x32x24xf32>
    %get3A_37 = arith.constant 0 : index
    %get3A_38 = arith.constant 2 : index
    %get3A_39 = arith.constant 0 : index
    %get3A_40 = vector.load %arg3[%get3A_37, %get3A_38, %get3A_39] : memref<1x3x128xf32, #tpu.memory_space<vmem>>, vector<1x1x128xf32>
    %get3A_41 = vector.shape_cast %get3A_40 : vector<1x1x128xf32> to vector<128xf32>
    %eq3A_42 = arith.constant 2 : i32
    %eq3A_43 = vector.broadcast %eq3A_42 : i32 to vector<1x1x24xi32>
    %eq3A_44 = arith.cmpi eq, %iota3A, %eq3A_43 : vector<1x1x24xi32>
    %jit3A_45 = arith.constant 1.000000e+00 : f32
    %jit3A_46 = arith.constant 0.000000e+00 : f32
    %broadcast_in_dim3A_47 = vector.broadcast %jit3A_45 : f32 to vector<1x1x24xf32>
    %broadcast_in_dim3A_48 = vector.broadcast %jit3A_46 : f32 to vector<1x1x24xf32>
    %select_n3A_49 = arith.select %eq3A_44, %broadcast_in_dim3A_47, %broadcast_in_dim3A_48 : vector<1x1x24xi1>, vector<1x1x24xf32>
    %broadcast_in_dim3A_50 = vector.shape_cast %get3A_41 : vector<128xf32> to vector<128x1x1xf32>
    %mul3A_51 = vector.broadcast %select_n3A_49 : vector<1x1x24xf32> to vector<128x1x24xf32>
    %mul3A_52 = vector.broadcast %broadcast_in_dim3A_50 : vector<128x1x1xf32> to vector<128x1x24xf32>
    %mul3A_53 = arith.mulf %mul3A_51, %mul3A_52 : vector<128x1x24xf32>
    %sub3A_54 = vector.broadcast %mul3A_53 : vector<128x1x24xf32> to vector<128x32x24xf32>
    %sub3A_55 = arith.subf %sub3A_36, %sub3A_54 : vector<128x32x24xf32>
    %reshape3A = vector.shape_cast %sub3A_55 : vector<128x32x24xf32> to vector<4096x24xf32>
    %get3A_56 = arith.constant 0 : index
    %get3A_57 = arith.constant 0 : index
    %get3A_58 = vector.load %arg5[%get3A_56, %get3A_57] : memref<24x32xf32, #tpu.memory_space<vmem>>, vector<24x32xf32>
    %dot_general3A = arith.constant dense<0.000000e+00> : vector<4096x32xf32>
    %dot_general3A_59 = tpu.matmul %reshape3A, %get3A_58, %dot_general3A {dimension_numbers = #tpu.dot_dimension_numbers<[1], [0], [0], [1], [0, 0, 1, 1], [], []>, precision = #tpu.contract_precision<fp32>, transpose_lhs_hint = false} : vector<4096x24xf32>, vector<24x32xf32>, vector<4096x32xf32> -> vector<4096x32xf32>
    %get3A_60 = arith.constant 0 : index
    %get3A_61 = arith.constant 0 : index
    %get3A_62 = vector.load %arg6[%get3A_60, %get3A_61] : memref<1x32xf32, #tpu.memory_space<vmem>>, vector<1x32xf32>
    %add3A = vector.broadcast %get3A_62 : vector<1x32xf32> to vector<4096x32xf32>
    %add3A_63 = arith.addf %dot_general3A_59, %add3A : vector<4096x32xf32>
    %max3A = arith.constant 0.000000e+00 : f32
    %max3A_64 = vector.broadcast %max3A : f32 to vector<4096x32xf32>
    %max3A_65 = arith.maximumf %add3A_63, %max3A_64 : vector<4096x32xf32>
    %get3A_66 = arith.constant 0 : index
    %get3A_67 = arith.constant 0 : index
    %get3A_68 = vector.load %arg7[%get3A_66, %get3A_67] : memref<32x32xf32, #tpu.memory_space<vmem>>, vector<32x32xf32>
    %dot_general3A_69 = arith.constant dense<0.000000e+00> : vector<4096x32xf32>
    %dot_general3A_70 = tpu.matmul %max3A_65, %get3A_68, %dot_general3A_69 {dimension_numbers = #tpu.dot_dimension_numbers<[1], [0], [0], [1], [0, 0, 1, 1], [], []>, precision = #tpu.contract_precision<fp32>, transpose_lhs_hint = false} : vector<4096x32xf32>, vector<32x32xf32>, vector<4096x32xf32> -> vector<4096x32xf32>
    %get3A_71 = arith.constant 0 : index
    %get3A_72 = arith.constant 0 : index
    %get3A_73 = vector.load %arg8[%get3A_71, %get3A_72] : memref<1x32xf32, #tpu.memory_space<vmem>>, vector<1x32xf32>
    %add3A_74 = vector.broadcast %get3A_73 : vector<1x32xf32> to vector<4096x32xf32>
    %add3A_75 = arith.addf %dot_general3A_70, %add3A_74 : vector<4096x32xf32>
    %max3A_76 = arith.constant 0.000000e+00 : f32
    %max3A_77 = vector.broadcast %max3A_76 : f32 to vector<4096x32xf32>
    %max3A_78 = arith.maximumf %add3A_75, %max3A_77 : vector<4096x32xf32>
    %get3A_79 = arith.constant 0 : index
    %get3A_80 = arith.constant 0 : index
    %get3A_81 = vector.load %arg9[%get3A_79, %get3A_80] : memref<32x64xf32, #tpu.memory_space<vmem>>, vector<32x64xf32>
    %dot_general3A_82 = arith.constant dense<0.000000e+00> : vector<4096x64xf32>
    %dot_general3A_83 = tpu.matmul %max3A_78, %get3A_81, %dot_general3A_82 {dimension_numbers = #tpu.dot_dimension_numbers<[1], [0], [0], [1], [0, 0, 1, 1], [], []>, precision = #tpu.contract_precision<fp32>, transpose_lhs_hint = false} : vector<4096x32xf32>, vector<32x64xf32>, vector<4096x64xf32> -> vector<4096x64xf32>
    %get3A_84 = arith.constant 0 : index
    %get3A_85 = arith.constant 0 : index
    %get3A_86 = vector.load %arg10[%get3A_84, %get3A_85] : memref<1x64xf32, #tpu.memory_space<vmem>>, vector<1x64xf32>
    %add3A_87 = vector.broadcast %get3A_86 : vector<1x64xf32> to vector<4096x64xf32>
    %add3A_88 = arith.addf %dot_general3A_83, %add3A_87 : vector<4096x64xf32>
    %max3A_89 = arith.constant 0.000000e+00 : f32
    %max3A_90 = vector.broadcast %max3A_89 : f32 to vector<4096x64xf32>
    %max3A_91 = arith.maximumf %add3A_88, %max3A_90 : vector<4096x64xf32>
    %reshape3A_92 = vector.shape_cast %max3A_91 : vector<4096x64xf32> to vector<128x32x64xf32>
    %iota3A_93 = tpu.iota {dimensions = array<i32: 1>} : vector<128x32x64xi32>
    %get3A_94 = arith.constant 0 : index
    %get3A_95 = arith.constant 0 : index
    %get3A_96 = arith.constant 0 : index
    %get3A_97 = vector.load %arg4[%get3A_94, %get3A_95, %get3A_96] : memref<1x1x128xf32, #tpu.memory_space<vmem>>, vector<1x1x128xf32>
    %get3A_98 = vector.shape_cast %get3A_97 : vector<1x1x128xf32> to vector<128xf32>
    %convert_element_type3A = arith.fptosi %get3A_98 : vector<128xf32> to vector<128xi32>
    %broadcast_in_dim3A_99 = vector.shape_cast %convert_element_type3A : vector<128xi32> to vector<128x1x1xi32>
    %lt3A = vector.broadcast %broadcast_in_dim3A_99 : vector<128x1x1xi32> to vector<128x32x64xi32>
    %lt3A_100 = arith.cmpi slt, %iota3A_93, %lt3A : vector<128x32x64xi32>
    %jit3A_101 = arith.constant 0.000000e+00 : f32
    %broadcast_in_dim3A_102 = vector.broadcast %jit3A_101 : f32 to vector<128x32x64xf32>
    %select_n3A_103 = arith.select %lt3A_100, %reshape3A_92, %broadcast_in_dim3A_102 : vector<128x32x64xi1>, vector<128x32x64xf32>
    %reduce_max3A = arith.constant dense<0xFF800000> : vector<128x64xf32>
    %reduce_max3A_104 = vector.multi_reduction <maximumf>, %select_n3A_103, %reduce_max3A [1] : vector<128x32x64xf32> to vector<128x64xf32>
    %swap3A = arith.constant 0 : index
    %swap3A_105 = arith.constant 0 : index
    %swap3A_106 = arith.constant 0 : index
    %swap3A_107 = vector.load %arg11[%swap3A, %swap3A_105, %swap3A_106] : memref<1x128x64xf32, #tpu.memory_space<vmem>>, vector<1x128x64xf32>
    %swap3A_108 = vector.shape_cast %swap3A_107 : vector<1x128x64xf32> to vector<128x64xf32>
    %swap3A_109 = vector.shape_cast %reduce_max3A_104 : vector<128x64xf32> to vector<1x128x64xf32>
    tpu.vector_store %arg11[%swap3A, %swap3A_105, %swap3A_106], %swap3A_109 {strides = array<i32>} : memref<1x128x64xf32, #tpu.memory_space<vmem>>, vector<1x128x64xf32>,
    return
  }
  func.func @transform_0(%arg0: i32, %arg1: i32) -> (i32, i32, i32, i32) {
    %c0_i32 = arith.constant 0 : i32
    %c0_i32_0 = arith.constant 0 : i32
    %c0_i32_1 = arith.constant 0 : i32
    return %arg0, %arg1, %c0_i32, %c0_i32_0 : i32, i32, i32, i32
  }
  func.func @transform_1(%arg0: i32, %arg1: i32) -> (i32, i32, i32) {
    %c0_i32 = arith.constant 0 : i32
    %c0_i32_0 = arith.constant 0 : i32
    return %arg0, %c0_i32, %arg1 : i32, i32, i32
  }
  func.func @transform_2(%arg0: i32, %arg1: i32) -> (i32, i32, i32) {
    %mul3A = arith.constant 8 : i32
    %mul3A_0 = arith.muli %arg0, %mul3A : i32
    %add3A = arith.addi %mul3A_0, %arg1 : i32
    %c0_i32 = arith.constant 0 : i32
    %c0_i32_1 = arith.constant 0 : i32
    %c0_i32_2 = arith.constant 0 : i32
    return %add3A, %c0_i32, %c0_i32_1 : i32, i32, i32
  }
  func.func @transform_3(%arg0: i32, %arg1: i32) -> (i32, i32) {
    %c0_i32 = arith.constant 0 : i32
    %c0_i32_0 = arith.constant 0 : i32
    %c0_i32_1 = arith.constant 0 : i32
    return %c0_i32, %c0_i32_0 : i32, i32
  }
  func.func @transform_4(%arg0: i32, %arg1: i32) -> (i32, i32) {
    %c0_i32 = arith.constant 0 : i32
    %c0_i32_0 = arith.constant 0 : i32
    %c0_i32_1 = arith.constant 0 : i32
    return %c0_i32, %c0_i32_0 : i32, i32
  }
  func.func @transform_5(%arg0: i32, %arg1: i32) -> (i32, i32) {
    %c0_i32 = arith.constant 0 : i32
    %c0_i32_0 = arith.constant 0 : i32
    %c0_i32_1 = arith.constant 0 : i32
    return %c0_i32, %c0_i32_0 : i32, i32
  }
  func.func @transform_6(%arg0: i32, %arg1: i32) -> (i32, i32) {
    %c0_i32 = arith.constant 0 : i32
    %c0_i32_0 = arith.constant 0 : i32
    %c0_i32_1 = arith.constant 0 : i32
    return %c0_i32, %c0_i32_0 : i32, i32
  }
  func.func @transform_7(%arg0: i32, %arg1: i32) -> (i32, i32) {
    %c0_i32 = arith.constant 0 : i32
    %c0_i32_0 = arith.constant 0 : i32
    %c0_i32_1 = arith.constant 0 : i32
    return %c0_i32, %c0_i32_0 : i32, i32
  }
  func.func @transform_8(%arg0: i32, %arg1: i32) -> (i32, i32) {
    %c0_i32 = arith.constant 0 : i32
    %c0_i32_0 = arith.constant 0 : i32
    %c0_i32_1 = arith.constant 0 : i32
    return %c0_i32, %c0_i32_0 : i32, i32
  }
  func.func @transform_9(%arg0: i32, %arg1: i32) -> (i32, i32, i32) {
    %c0_i32 = arith.constant 0 : i32
    %c0_i32_0 = arith.constant 0 : i32
    return %arg0, %arg1, %c0_i32 : i32, i32, i32
  }
}

</mosaic_0001>

<sc_bundles>
// kernel: kernel.5.cloned.1.call-start
scs
__scs_entry_jumppad:
0x0: {  	(pc) =	sbr.rel $0x88, $3  }
0x1: {  	(tag) =	ssettag $0x0;
	lr =	simm.s32 $0x1  }
0x2: {  	[smem:$0x3F99] =	sst lr;
	_ =	strace $0xD0000000  }
0x3: {  	_ = 	snop  }
0x4: {  	_ = 	snop  }
0x5: {  	_ = 	snop  }
0x6: {  	_ = 	snop  }
0x7: {  	_ = 	snop  }
__scs_overlays_trampoline_lowered:
0x8: {  	[smem:$0x3FA8] =	sst s0  }
0x9: {  	[smem:$0x3FA9] =	sst s1  }
0xa: {  	[smem:$0x3FAA] =	sst s2  }
0xb: {  	[smem:$0x3FAB] =	sst s3  }
0xc: {  	[smem:$0x3FAC] =	sst s4  }
0xd: {  	[smem:$0x3FAD] =	sst s5  }
0xe: {  	[smem:$0x3FAE] =	sst s6  }
0xf: {  	[smem:$0x3FAF] =	sst s7  }
0x10: {  	[smem:$0x3FB0] =	sst s8  }
0x11: {  	[smem:$0x3FB1] =	sst s9;
	s0 =	simm.s32 @!p0 $0x0  }
0x12: {  	s1 =	sld [smem:$0x3F97];
	s0 =	simm.s32 @p0 $0x1  }
0x13: {  	[smem:$0x3FB2] =	sst s0;
	s0 =	simm.s32 @!p1 $0x0  }
0x14: {  	s2 =	sld [smem:$0x3F96];
	s0 =	simm.s32 @p1 $0x1  }
0x15: {  	[smem:$0x3FB3] =	sst s0;
	s0 =	simm.s32 @!p2 $0x0  }
0x16: {  	s3 =	sld [smem:$0x3FDB];
	s0 =	simm.s32 @p2 $0x1  }
0x17: {  	s4 =	simm.s32 $0x1BF5;
	[smem:$0x3FB5] =	sst s0  }
0x18: {  	s0 =	sld [smem:$0x3F98];
	_ =	swait.ge [sflag:s4], $0x0  }
0x19: {  	s7 =	sld [smem:$0x3F99]  }
0x1a: {  	s8 =	sadd.s32 $0xFFFFE003, lr  }
0x1b: {  	s9 =	sadd.s32 $0xFFFFFEF7, lr;
	s5 =	simm.s32 $0xFFFFFFFF;
	p2 =	slt.u32 s8, $0xFFFFF086  }
0x1c: {  	p1 =	slt.u32 s9, $0xF7A;
	s5 =	simm.s32 @!p2 $0x0  }
0x1d: {  	s5 =	simm.s32 @p1 $0x1;
	p0 =	seq.s32 s7, s2  }
0x1e: {  	s7 =	smul.u32 @!p0 $0xF7A, s2;
	p2 =	seq.s32 @!p0 s5, $0x0  }
0x1f: {  	s9 =	smul.u32 $0xF7A, s1;
	s8 =	simm.s32 @!p0 $0x1BF5;
	p2 =	por !p2, p0  }
0x20: {  	[sflag:s8] =	ssyncset.s32 @!p0 $0xFFFFF086;
	s6 =	sadd.s32 @!p0 s3, s7;
	s7 =	simm.s32 @!p0 $0x108  }
0x21: {  	s3 =	sadd.s32 s3, s9;
	s6 =	sadd.s32 @!p0 $0x88, s6;
	s7 =	simm.s32 @p2 $0x1082  }
0x22: {  	[simem:s7], [sflag:s8] =	dma.local @!p0 [hbm:s6], $0xF7A  }
0x23: {  	s9 =	sor.u32 $0xD0000000, s2;
	s6 =	simm.s32 $0x108;
	_ =	swait.ge @!p0 [sflag:s8], $0x0  }
0x24: {  	s3 =	sadd.s32 $0x88, s3;
	s6 =	simm.s32 @!p1 $0x1082;
	[sflag:s4] =	ssyncset.s32 $0xFFFFF086  }
0x25: {  	[simem:s6], [sflag:s4] =	dma.local [hbm:s3], $0xF7A  }
0x26: {  	[smem:$0x3F99] =	sst s1;
	(tag) =	ssettag s2;
	_ =	strace s9  }
0x27: {  	s1 =	sld [smem:$0x3FA9]  }
0x28: {  	s2 =	sld [smem:$0x3FAA]  }
0x29: {  	s4 =	sld [smem:$0x3FAC]  }
0x2a: {  	p0 =	seq.s32 s5, $0x0;
	s5 =	sld [smem:$0x3FAD]  }
0x2b: {  	s6 =	sld [smem:$0x3FAE]  }
0x2c: {  	s7 =	sld [smem:$0x3FAF]  }
0x2d: {  	s3 =	simm.s32 $0x108;
	s8 =	sld [smem:$0x3FB0]  }
0x2e: {  	s3 =	simm.s32 @!p0 $0x1082;
	s9 =	sld [smem:$0x3FB1]  }
0x2f: {  	lr =	sadd.s32 s0, s3;
	s0 =	sld [smem:$0x3FA8]  }
0x30: {  	s3 =	sld [smem:$0x3FAB]  }
0x31: {  	[smem:$0x3FB4] =	sst s10  }
0x32: {  	s10 =	sld [smem:$0x3FB2];
	_ =	sdelay $0x3  }
0x33: {  	p0 =	seq.s32 s10, $0x1;
	s10 =	sld [smem:$0x3FB4];
	_ =	sdelay $0x3  }
0x34: {  	[smem:$0x3FB4] =	sst s10  }
0x35: {  	s10 =	sld [smem:$0x3FB3];
	_ =	sdelay $0x3  }
0x36: {  	p1 =	seq.s32 s10, $0x1;
	s10 =	sld [smem:$0x3FB4];
	_ =	sdelay $0x3  }
0x37: {  	[smem:$0x3FB4] =	sst s10  }
0x38: {  	s10 =	sld [smem:$0x3FB5]  }
0x39: {  	_ = 	snop;
	(pc) =	sbr.ind lr, $3  }
0x3a: {  	_ = 	snop  }
0x3b: {  	_ = 	snop  }
0x3c: {  	p2 =	seq.s32 s10, $0x1;
	s10 =	sld [smem:$0x3FB4]  }
0x3d: {  	_ =	shalt  }
0x3e: {  	_ =	shalt  }
0x3f: {  	_ =	shalt  }
0x40: {  	_ =	shalt  }
0x41: {  	_ =	shalt  }
0x42: {  	_ =	shalt  }
0x43: {  	_ =	shalt  }
0x44: {  	_ =	shalt  }
0x45: {  	_ =	shalt  }
0x46: {  	_ =	shalt  }
0x47: {  	_ =	shalt  }
0x48: {  	_ =	shalt  }
0x49: {  	_ =	shalt  }
0x4a: {  	_ =	shalt  }
0x4b: {  	_ =	shalt  }
0x4c: {  	_ =	shalt  }
0x4d: {  	_ =	shalt  }
0x4e: {  	_ =	shalt  }
0x4f: {  	_ =	shalt  }
0x50: {  	_ =	shalt  }
0x51: {  	_ =	shalt  }
0x52: {  	_ =	shalt  }
0x53: {  	_ =	shalt  }
0x54: {  	_ =	shalt  }
0x55: {  	_ =	shalt  }
0x56: {  	_ =	shalt  }
0x57: {  	_ =	shalt  }
0x58: {  	_ =	shalt  }
0x59: {  	_ =	shalt  }
0x5a: {  	_ =	shalt  }
0x5b: {  	_ =	shalt  }
0x5c: {  	_ =	shalt  }
0x5d: {  	_ =	shalt  }
0x5e: {  	_ =	shalt  }
0x5f: {  	_ =	shalt  }
0x60: {  	_ =	shalt  }
0x61: {  	_ =	shalt  }
0x62: {  	_ =	shalt  }
0x63: {  	_ =	shalt  }
0x64: {  	_ =	shalt  }
0x65: {  	_ =	shalt  }
0x66: {  	_ =	shalt  }
0x67: {  	_ =	shalt  }
0x68: {  	_ =	shalt  }
0x69: {  	_ =	shalt  }
0x6a: {  	_ =	shalt  }
0x6b: {  	_ =	shalt  }
0x6c: {  	_ =	shalt  }
0x6d: {  	_ =	shalt  }
0x6e: {  	_ =	shalt  }
0x6f: {  	_ =	shalt  }
0x70: {  	_ =	shalt  }
0x71: {  	_ =	shalt  }
0x72: {  	_ =	shalt  }
0x73: {  	_ =	shalt  }
0x74: {  	_ =	shalt  }
0x75: {  	_ =	shalt  }
0x76: {  	_ =	shalt  }
0x77: {  	_ =	shalt  }
0x78: {  	_ =	shalt  }
0x79: {  	_ =	shalt  }
0x7a: {  	_ =	shalt  }
0x7b: {  	_ =	shalt  }
0x7c: {  	_ =	shalt  }
0x7d: {  	_ =	shalt  }
0x7e: {  	_ =	shalt  }
0x7f: {  	_ =	shalt  }
0x80: {  	_ =	shalt  }
0x81: {  	_ =	shalt  }
0x82: {  	_ =	shalt  }
0x83: {  	_ =	shalt  }
0x84: {  	_ =	shalt  }
0x85: {  	_ =	shalt  }
0x86: {  	_ =	shalt  }
0x87: {  	_ =	shalt  }
.Lfunc_end0:
.L_simem_size_0:
called_computation_lowered:
.L_overlay_start_0:
0x88: {  	s2 =	sld [smem:$0x3FD9]  }
0x89: {  	s3 =	sld [smem:$0x3FFE];
	_ =	sdelay $0x1  }
0x8a: {  	s1 =	srdreg.scid  }
0x8b: {  	s0 =	sand.u32 $0x1, s1  }
0x8c: {  	s14 =	sshll.u32 s0, $0xA;
	s2 =	sadd.s32 s3, s2  }
0x8d: {  	s2 =	sadd.s32 s2, s14  }
0x8e: {  	[smem:$0x3FC0] =	sst s2  }
0x8f: {  	_ = 	snop  }
0x90: {  	s2 =	sld [smem:$0x3FD0];
	_ =	sdelay $0x2  }
0x91: {  	s15 =	simm.s32 $0xA;
	s4 =	simm.s32 $0x10  }
0x92: {  	[smem:s4], [sflag:s15] =	dma.local [hbm:s2], $0x1  }
0x93: {  	_ =	swait.eq [sflag:s15], $0x1  }
0x94: {  	[sflag:s15] =	ssyncset.done $0x0  }
0x95: {  	[sflag:s15] =	ssyncadd.s32 $0xFFFFFFFF  }
0x96: {  	s16 =	sld [smem:$0x11];
	(tm) =	ssettm $0x1  }
0x97: {  	s17 =	sld [smem:$0x3FFB];
	_ =	sdelay $0x3  }
0x98: {  	_ =	strace s17  }
0x99: {  	s3 =	sld [smem:$0x3FFC];
	_ =	sdelay $0x3  }
0x9a: {  	_ =	strace s3  }
0x9b: {  	s3 =	sld [smem:$0x3FFD];
	_ =	sdelay $0x3  }
0x9c: {  	_ =	strace s3  }
0x9d: {  	_ =	strace $0x8FFFFFFF  }
0x9e: {  	s18 =	sld [smem:$0x3FDB];
	_ =	sdelay $0x1  }
0x9f: {  	s19 =	simm.s32 $_scs_section_size  }
0xa0: {  	s5 =	simm.s32 $_size__tile_overlayer_lowered;
	s6 =	simm.s32 $_tile_overlayer_lowered  }
0xa1: {  	s22 =	simm.s32 $0x1BFF;
	s21 =	sshll.u32 s6, $0x1;
	s3 =	sadd.s32 s19, s18  }
0xa2: {  	s7 =	simm.s32 $0x0;
	s20 =	sshll.u32 s5, $0x1;
	s5 =	sadd.s32 s21, s3  }
0xa3: {  	[timem:s7], [sflag:s22] =	dma.local [hbm:s5], s20  }
0xa4: {  	_ =	swait.ge [sflag:s22], s20  }
0xa5: {  	s4 =	ssub.s32 $0x0, s20;
	[sflag:s22] =	ssyncset.done $0x0  }
0xa6: {  	[sflag:s22] =	ssyncadd.s32 s4;
	_ =	sdelay $0x1  }
0xa7: {  	s23 =	simm.s32 $0x1B8B  }
0xa8: {  	_ =	swait.ge [sflag:s23], $0x1  }
0xa9: {  	[sflag:s23] =	ssyncset.done $0x0  }
0xaa: {  	s25 =	simm.s32 $0x1B8E;
	s24 =	sld [smem:$0x3FFE];
	[sflag:s23] =	ssyncadd.s32 $0xFFFFFFFF  }
0xab: {  	s26 =	simm.s32 $execute0_lowered;
	[smem:$0x3FD2] =	sst s25  }
0xac: {  	s5 =	sshll.u32 s26, $0x1;
	_ =	strace $0x80000046;
	[dreg:$0x1] =	wrdreg $0xFFFFFFFF  }
0xad: {  	s28 =	simm.s32 $_size_execute0_lowered;
	s3 =	sadd.s32 s3, s5;
	[dreg:$0x0] =	wrdreg $0x0  }
0xae: {  	s5 =	sshll.u32 s28, $0x1;
	[dreg:$0x2] =	wrdreg s3  }
0xaf: {  	[dreg:$0x3] =	wrdreg s5  }
0xb0: {  	[dreg:$0x4] =	wrdreg $0xC0  }
0xb1: {  	_ =	task [dreg:s7], $0x5FFFF  }
0xb2: {  	[dreg:$0x1] =	wrdreg $0xFFFFFFFF  }
0xb3: {  	[dreg:$0x0] =	wrdreg $0x60  }
0xb4: {  	[dreg:$0x2] =	wrdreg s16  }
0xb5: {  	[dreg:$0x3] =	wrdreg s24  }
0xb6: {  	[dreg:$0x4] =	wrdreg $0x9  }
0xb7: {  	_ =	task.clear_ibuf [dreg:s7], $0x5FFFF;
	_ =	strace $0x90000046  }
0xb8: {  	s29 =	simm.s32 $0x9;
	_ =	strace $0x80000048  }
0xb9: {  	_ =	swait.ge [sflag:s29], $0x1  }
0xba: {  	[sflag:s29] =	ssyncadd.s32 $0xFFFFFFFF  }
0xbb: {  	_ =	strace $0x90000048  }
0xbc: {  	_ =	sfence  }
0xbd: {  	s30 =	sld [smem:$0x0];
	_ =	sdelay $0x2  }
0xbe: {  	s31 =	sshll.u32 s1, $0xD;
	s1 =	sshrl.u32 s1, $0x2  }
0xbf: {  	s3 =	sand.u32 $0x4000, s31;
	s1 =	sadd.s32 s1, s30  }
0xc0: {  	s0 =	sor.u32 s3, s0;
	s1 =	sshll.u32 s1, $0x11  }
0xc1: {  	s0 =	sor.u32 s1, s0  }
0xc2: {  	s0 =	sadd.s32 $0x8F2B, s0  }
0xc3: {  	[sflag:s0] =	ssyncadd.remote.s32 $0x1  }
0xc4: {  	_ =	sfence.sel $0xFFFF  }
0xc5: {  	[dreg:$0x0] =	wrdreg $0xFFFFFFFF;
	(pc) =	sbr.abs _section_cstart, $3  }
0xc6: {  	[dreg:$0x1] =	wrdreg $0xFFFFFFFF  }
0xc7: {  	_ =	task.clear_ibuf [dreg:s7], $0x2FFFF;
	_ =	strace $0x9FFFFFFF  }
0xc8: {  	(tm) =	ssettm $0x7FFFFFFF  }
0xc9: {  	_ =	shalt  }
tec
execute0_lowered:
.L_overlay_start_1:
0x0: {  	(tag) =	ssettag $0x1  }
0x1: {  	s0 =	rddreg [dreg:$0x0]  }
0x2: {  	s1 =	rddreg [dreg:$0x1];
	s2 =	simm.s32 $0x0  }
0x3: {  	s3 =	srdreg.scid;
	s9 =	stileid.u32;
	s15 =	simm.s32 $0x2  }
0x4: {  	s18 =	simm.s32 $0x6000;
	s19 =	simm.s32 $0x6400;
	s20 =	simm.s32 $0x6800  }
0x5: {  	s21 =	simm.s32 $0x20;
	[smem:$0x7FF] =	sst s2;
	s6 =	sadd.s32 $0x1800, s1  }
0x6: {  	s5 =	sand.u32 $0x1, s3;
	s7 =	sshll.u32 s9, $0x1;
	s12 =	sshrl.u32 s9, $0x2  }
0x7: {  	s3 =	sadd.s32 $0x1E00, s1;
	s4 =	sadd.s32 $0x19E00, s1;
	s10 =	smul.u32 $0x3, s12  }
0x8: {  	_ =	strace $0x80000047;
	s7 =	sor.u32 s5, s7;
	s24 =	smul.u32 $0xC00, s12  }
0x9: {  	s5 =	ssub.s32 $0x2, s5;
	s14 =	smul.u32 $0x180, s12;
	s31 =	sshll.u32 s12, $0xD  }
0xa: {  	s12 =	smul.u32 $0xC0000, s12;
	s8 =	sshll.u32 s7, $0x4;
	s22 =	sshrl.u32 s5, $0x1  }
0xb: {  	s7 =	sshll.u32 s7, $0x7;
	s1 =	sadd.s32 s8, s1;
	s23 =	ssub.s32 s5, s22  }
0xc: {  	s5 =	sand.u32 $0x380, s7;
	s11 =	sadd.s32 $0x1, s10;
	s10 =	sadd.s32 $0x2, s10  }
0xd: {  	s7 =	sadd.s32 s0, s24;
	s28 =	sadd.s32 s6, s14;
	s22 =	simm.s32 $0x6C30  }
0xe: {  	s24 =	simm.s32 $0x1;
	s25 =	sshll.u32 s11, $0xA;
	[dreg:$0x3] =	wrdreg s7  }
0xf: {  	s13 =	sshll.u32 s10, $0xA;
	[dreg:$0x6] =	wrdreg s28;
	s29 =	sshll.u32 s11, $0x7  }
0x10: {  	s30 =	sshll.u32 s10, $0x7;
	s14 =	smax.u32 s23, $0x1;
	s23 =	simm.s32 $0x6C50  }
0x11: {  	s26 =	sadd.s32 s0, s25;
	s0 =	sadd.s32 s0, s13;
	s10 =	sadd.s32 s6, s29  }
0x12: {  	s11 =	sadd.s32 s6, s30;
	s13 =	sadd.s32 $0x79E00, s1;
	[dreg:$0x4] =	wrdreg s26  }
0x13: {  	v1 =	vimm.s32 $0x0;
	v2 =	vlaneseq.u32;
	v0 =	vmov s31;
	s25 =	simm.s32 $0x6F50;
	[dreg:$0x5] =	wrdreg s0;
	s26 =	simm.s32 $0x0  }
.LBB2_1:
0x14: {  	s0 =	rddreg [dreg:$0x3]  }
0x15: {  	[tilespmem:s2], [sflag:$0x2] =	stream.linear.gather [hbm4b:s0+s2], $0x2000, $0x38;
	[tilespmem:$0x6FD0] =	vst v63  }
0x16: {  	_ =	swait.ge [sflag:s15], $0x2000  }
0x17: {  	[sflag:s15] =	ssyncset.done $0x0  }
0x18: {  	s1 =	simm.s32 $0x2000;
	s17 =	rddreg [dreg:$0x4];
	[sflag:s15] =	ssyncadd.s32 $0xFFFFE000  }
0x19: {  	[tilespmem:s1], [sflag:$0x2] =	stream.linear.gather [hbm4b:s17+s2], $0x2000, $0x38;
	[tilespmem:$0x6FD0] =	vst v63  }
0x1a: {  	_ =	swait.ge [sflag:s15], $0x2000  }
0x1b: {  	[sflag:s15] =	ssyncset.done $0x0  }
0x1c: {  	s30 =	simm.s32 $0x4000;
	s29 =	rddreg [dreg:$0x5];
	[sflag:s15] =	ssyncadd.s32 $0xFFFFE000  }
0x1d: {  	[tilespmem:s30], [sflag:$0x2] =	stream.linear.gather [hbm4b:s29+s2], $0x2000, $0x38;
	[tilespmem:$0x6FD0] =	vst v63  }
0x1e: {  	_ =	swait.ge [sflag:s15], $0x2000  }
0x1f: {  	[sflag:s15] =	ssyncset.done $0x0  }
0x20: {  	s31 =	rddreg [dreg:$0x6];
	[sflag:s15] =	ssyncadd.s32 $0xFFFFE000  }
0x21: {  	[tilespmem:s18], [sflag:$0x2] =	stream.linear.gather [hbm4b:s31+s2], $0x400, $0x38;
	[tilespmem:$0x6FD0] =	vst v63  }
0x22: {  	_ =	swait.ge [sflag:s15], $0x400  }
0x23: {  	[sflag:s15] =	ssyncset.done $0x0  }
0x24: {  	[sflag:s15] =	ssyncadd.s32 $0xFFFFFC00  }
0x25: {  	[tilespmem:s19], [sflag:$0x2] =	stream.linear.gather [hbm4b:s10+s2], $0x400, $0x38;
	[tilespmem:$0x6FD0] =	vst v63  }
0x26: {  	_ =	swait.ge [sflag:s15], $0x400  }
0x27: {  	[sflag:s15] =	ssyncset.done $0x0  }
0x28: {  	[sflag:s15] =	ssyncadd.s32 $0xFFFFFC00  }
0x29: {  	[tilespmem:s20], [sflag:$0x2] =	stream.linear.gather [hbm4b:s11+s2], $0x400, $0x38;
	[tilespmem:$0x6FD0] =	vst v63  }
0x2a: {  	_ =	swait.ge [sflag:s15], $0x400  }
0x2b: {  	[sflag:s15] =	ssyncset.done $0x0  }
0x2c: {  	s28 =	simm.s32 $0x0;
	[sflag:s15] =	ssyncadd.s32 $0xFFFFFC00  }
.LBB2_2:
0x2d: {  	s29 =	sor.u32 s5, s28  }
0x2e: {  	v5 =	vmov s29;
	_ =	sdelay $0x4  }
0x2f: {  	v3 =	vld.idx.msk [tilespmem:v5+s18+$0x0], $0xffff  }
0x30: {  	v10 =	vimm.s32 $0x0;
	v4 =	vld.idx.msk [tilespmem:v5+s19+$0x0], $0xffff  }
0x31: {  	v5 =	vld.idx.msk [tilespmem:v5+s20+$0x0], $0xffff;
	[tilespmem:$0x6C00] =	vst v10  }
0x32: {  	s6 =	simm.s32 $0x0;
	s31 =	simm.s32 $0x2000;
	s0 =	simm.s32 $0x4000;
	[tilespmem:$0x6C10] =	vst v10  }
0x33: {  	s1 =	simm.s32 $0x0;
	v9 =	vimm.s32 $0x0;
	s17 =	simm.s32 $0x0;
	s16 =	simm.s32 $0x0;
	[tilespmem:$0x6C20] =	vst v10  }
.LBB2_3:
0x34: {  	v7 =	vmov s31  }
0x35: {  	v8 =	vmov s1;
	_ =	sdelay $0x1  }
0x36: {  	v6 =	vmov s0  }
0x37: {  	s7 =	simm.s32 $0x0  }
0x38: {  	(xrf0) =	vadd.scan.msk.s32 $0xffff, v9;
	v11 =	vld.idx.msk [tilespmem:v7+s7+$0x0 ss:$0x1], $0xffff  }
0x39: {  	v12 =	vld.idx.msk [tilespmem:v8+s7+$0x0 ss:$0x1], $0xffff;
	_ =	sdelay $0x1  }
0x3a: {  	v14 =	vld.idx.msk [tilespmem:v6+s7+$0x0 ss:$0x1], $0xffff;
	_ =	sdelay $0x2  }
0x3b: {  	p0 =	slt.s32 s17, $0x20;
	s7 =	smov.u32 s17;
	v13, _, _ =	vpop (xrf0);
	v12 =	vsub.f32 v12, v3;
	v11 =	vsub.f32 v11, v4  }
0x3c: {  	vm0 =	vne.s32 v9, $0x0;
	s7 =	simm.s32 @!p0 $0x20;
	(v2sf) =	vpush v13, $0xF  }
0x3d: {  	[tilespmem:s7+$0x6C00] =	vst.msk vm0, v10;
	v9 =	vsub.f32 v14, v5;
	v10 =	vmul.f32 v12, v12;
	v11 =	vmul.f32 v11, v11;
	_ =	sdelay $0x1  }
0x3e: {  	s8 =	simm.s32 $0x10;
	v9 =	vmul.f32 v9, v9;
	v10 =	vadd.f32 v11, v10  }
0x3f: {  	v61 =	vld.idx.msk [tilespmem:v7+s8+$0x0 ss:$0x1], $0xffff  }
0x40: {  	v62 =	vld.idx.msk [tilespmem:v8+s8+$0x0 ss:$0x1], $0xffff;
	v9 =	vadd.f32 v9, v10  }
0x41: {  	v11 =	vld.idx.msk [tilespmem:v6+s8+$0x0 ss:$0x1], $0xffff  }
0x42: {  	vm14 =	vlt.f32 v9, $6.399999860e-01  }
0x43: {  	v63 =	vsel vm14, $0x1, v1  }
0x44: {  	(xrf0) =	vadd.scan.msk.s32 $0xffff, v63  }
0x45: {  	v10 =	vsub.f32 v61, v4  }
0x46: {  	v9 =	vsub.f32 v62, v3;
	v11 =	vsub.f32 v11, v5;
	_ =	sdelay $0x1  }
0x47: {  	v10 =	vmul.f32 v10, v10;
	v9 =	vmul.f32 v9, v9;
	_ =	sdelay $0x1  }
0x48: {  	v9 =	vadd.f32 v10, v9;
	v10 =	vmul.f32 v11, v11;
	v11, _, _ =	vpop (xrf0)  }
0x49: {  	s9 =	spop (v2sf);
	(v2sf) =	vpush v11, $0xF;
	_ =	sdelay $0x3  }
0x4a: {  	s17 =	sadd.s32 s17, s9  }
0x4b: {  	p0 =	slt.s32 s17, $0x20;
	s7 =	smov.u32 s17;
	v9 =	vadd.f32 v10, v9  }
0x4c: {  	vm0 =	vne.s32 v63, $0x0;
	v10 =	vor.u32 s6, v2;
	s7 =	simm.s32 @!p0 $0x20  }
0x4d: {  	s8 =	simm.s32 $0x20;
	[tilespmem:s7+$0x6C00] =	vst.msk vm0, v10;
	vm15 =	vlt.f32 v9, $6.399999860e-01  }
0x4e: {  	v10 =	vld.idx.msk [tilespmem:v7+s8+$0x0 ss:$0x1], $0xffff;
	v9 =	vsel vm15, $0x1, v1  }
0x4f: {  	s30 =	smov.u32 s6;
	s7 =	simm.s32 $0xC0;
	v11 =	vld.idx.msk [tilespmem:v8+s8+$0x0 ss:$0x1], $0xffff;
	(xrf0) =	vadd.scan.msk.s32 $0xffff, v9  }
.LBB2_4:
0x50: {  	p0 =	sne.s32 s7, $0xFC0  }
0x51: {  	v12 =	vld.idx.msk [tilespmem:v6+s8+$0x0 ss:$0x1], $0xffff;
	_ =	sdelay $0x3  }
0x52: {  	v10 =	vsub.f32 v10, v4;
	v11 =	vsub.f32 v11, v3;
	v13, _, _ =	vpop (xrf0);
	s8 =	spop (v2sf)  }
0x53: {  	(v2sf) =	vpush v13, $0xF;
	s17 =	sadd.s32 s17, s8  }
0x54: {  	s30 =	sadd.s32 $0x10, s30;
	v10 =	vmul.f32 v10, v10;
	v12 =	vsub.f32 v12, v5;
	v11 =	vmul.f32 v11, v11;
	p1 =	slt.s32 s17, $0x20;
	s8 =	smov.u32 s17  }
0x55: {  	vm0 =	vne.s32 v9, $0x0;
	v9 =	vor.u32 s30, v2;
	s8 =	simm.s32 @!p1 $0x20  }
0x56: {  	v10 =	vadd.f32 v10, v11;
	v11 =	vmul.f32 v12, v12;
	[tilespmem:s8+$0x6C00] =	vst.msk vm0, v9;
	_ =	sdelay $0x1  }
.Ltmp0:
0x57: {  	v9 =	vadd.f32 v11, v10;
	(pc) =	sbr.rel @p0 .LBB2_4-.Ltmp0, $4  }
0x58: {  	_ = 	snop  }
0x59: {  	s8 =	sshra.s32 s7, $0x2;
	vm0 =	vlt.f32 v9, $6.399999860e-01  }
0x5a: {  	v9 =	vsel vm0, $0x1, v1;
	v10 =	vld.idx.msk [tilespmem:v7+s8+$0x0 ss:$0x1], $0xffff  }
0x5b: {  	s7 =	sadd.s32 $0x40, s7;
	v11 =	vld.idx.msk [tilespmem:v8+s8+$0x0 ss:$0x1], $0xffff;
	(xrf0) =	vadd.scan.msk.s32 $0xffff, v9  }
0x5c: {  	_ =	sdelay $0x4  }
0x5d: {  	v7, _, _ =	vpop (xrf0)  }
0x5e: {  	(v2sf) =	vpush v7, $0xF;
	_ =	sdelay $0xa  }
0x5f: {  	v6 =	vld.idx.msk [tilespmem:v6+s8+$0x0 ss:$0x1], $0xffff;
	_ =	sdelay $0x2  }
0x60: {  	v8 =	vsub.f32 v10, v4;
	s7 =	spop (v2sf);
	v7 =	vsub.f32 v11, v3  }
0x61: {  	p1 =	sgt.u32 s16, $0x6;
	s7 =	sadd.s32 s17, s7;
	s17 =	spop (v2sf)  }
0x62: {  	v6 =	vsub.f32 v6, v5;
	v8 =	vmul.f32 v8, v8;
	p0 =	slt.s32 s7, $0x20;
	s9 =	smov.u32 s7;
	v7 =	vmul.f32 v7, v7;
	s17 =	sadd.s32 s7, s17  }
0x63: {  	s9 =	simm.s32 @!p0 $0x20;
	p0 =	slt.s32 @!p1 s17, $0x20  }
0x64: {  	v6 =	vmul.f32 v6, v6;
	v7 =	vadd.f32 v8, v7;
	p0 =	por p1, !p0  }
.Ltmp1:
0x65: {  	_ = 	snop;
	(pc) =	sbr.rel @!p0 .LBB2_3-.Ltmp1, $4  }
0x66: {  	v6 =	vadd.f32 v6, v7  }
0x67: {  	s30 =	sadd.s32 $0x10, s30  }
0x68: {  	vm1 =	vne.s32 v9, $0x0;
	s16 =	sadd.s32 $0x1, s16;
	s1 =	sadd.s32 $0x400, s1;
	s8 =	sadd.s32 $0x10, s30;
	v7 =	vor.u32 s30, v2;
	vm0 =	vlt.f32 v6, $6.399999860e-01  }
0x69: {  	s31 =	sadd.s32 $0x400, s31;
	s0 =	sadd.s32 $0x400, s0;
	s6 =	sadd.s32 $0x400, s6;
	v10 =	vor.u32 s8, v2;
	[tilespmem:s9+$0x6C00] =	vst.msk vm1, v7;
	v9 =	vsel vm0, $0x1, v1  }
0x6a: {  	p0 =	slt.s32 s17, $0x20;
	s0 =	smov.u32 s17  }
0x6b: {  	s0 =	simm.s32 @!p0 $0x20  }
0x6c: {  	[tilespmem:s0+$0x6C00] =	vst.msk vm0, v10  }
0x6d: {  	v3 =	vld [tilespmem:$0x6C00]  }
0x6e: {  	v4 =	vld [tilespmem:$0x6C10];
	_ =	sdelay $0x3  }
0x6f: {  	v3 =	vadd.s32 v0, v3  }
0x70: {  	[tilespmem:$0x6C30] =	vst v3;
	v3 =	vadd.s32 v0, v4  }
0x71: {  	[tilespmem:$0x6C40] =	vst v3  }
0x72: {  	[tilespmem:s23], [sflag:$0x1] =	stream.indirect.gather [hbm4b:s3+s21], $0x18, s22, s21, $0xb8;
	[tilespmem:$0x6FD0] =	vst v63  }
0x73: {  	_ =	swait.ge [sflag:s24], $0x300  }
0x74: {  	(xrf0) =	vadd.scan.msk.s32 $0xffff, v9;
	_ =	sdelay $0x5  }
0x75: {  	v3, _, _ =	vpop (xrf0)  }
0x76: {  	(v2sf) =	vpush v3, $0xF;
	_ =	sdelay $0x8  }
0x77: {  	s30 =	smul.u32 $0x300, s29;
	_ =	sdelay $0x1  }
0x78: {  	s0 =	sadd.s32 s12, s30  }
0x79: {  	s0 =	sshrl.u32 s0, $0x3;
	[sflag:s24] =	ssyncset.done $0x0  }
0x7a: {  	s0 =	sadd.s32 s4, s0;
	[sflag:s24] =	ssyncadd.s32 $0xFFFFFD00  }
0x7b: {  	[hbm4b:s0+s2] =	stream.linear.scatter [tilespmem:s23], [sflag:$0x2], $0x300, $0x38;
	[tilespmem:$0x6FD0] =	vst v63  }
0x7c: {  	s1 =	spop (v2sf)  }
0x7d: {  	s1 =	sadd.s32 s17, s1  }
0x7e: {  	v3 =	vmov s28;
	s28 =	sadd.s32 $0x1, s28;
	p0 =	slt.s32 s1, $0x20  }
0x7f: {  	s1 =	simm.s32 @!p0 $0x20;
	p0 =	sne.s32 s28, $0x80  }
.Ltmp2:
0x80: {  	_ = 	snop;
	(pc) =	sbr.rel @p0 .LBB2_2-.Ltmp2, $4  }
0x81: {  	_ =	swait.ge [sflag:s15], $0x300;
	s31 =	scvt.s32.f32 s1  }
0x82: {  	[sflag:s15] =	ssyncset.done $0x0  }
0x83: {  	[sflag:s15] =	ssyncadd.s32 $0xFFFFFD00;
	v63 =	vmov s31  }
0x84: {  	[tilespmem:v3+s25+$0x0] =	vst.idx.msk $0xffff, v63  }
0x85: {  	s26 =	sadd.s32 $0x1, s26  }
0x86: {  	p0 =	sne.s32 s26, s14  }
.Ltmp3:
0x87: {  	_ = 	snop;
	(pc) =	sbr.rel @p0 .LBB2_1-.Ltmp3, $4  }
0x88: {  	[hbm4b:s13+s2] =	stream.linear.scatter [tilespmem:s25], [sflag:$0x2], $0x80, $0x38;
	[tilespmem:$0x6FD0] =	vst v63  }
0x89: {  	_ =	swait.ge [sflag:s15], $0x80  }
0x8a: {  	[sflag:s15] =	ssyncset.done $0x0  }
0x8b: {  	[sflag:s15] =	ssyncadd.s32 $0xFFFFFF80  }
0x8c: {  	_ =	sfence.sel $0x180000  }
0x8d: {  	[bflag:$0x0] =	sbarrier.arrive $0xFFFF  }
0x8e: {  	_ =	strace $0x90000047  }
0x8f: {  	s0 =	stileid.u32;
	[bflag:$0x2] =	sbarrier.arrive $0xFFFF  }
0x90: {  	p0 =	sne.s32 s0, $0x0;
	s0 =	rddreg [dreg:$0x2]  }
0x91: {  	s0 =	sadd.s32 @!p0 $0x100000, s0  }
0x92: {  	[sflag:s0] =	ssyncadd.tile.s32 @!p0 $0x1;
	_ =	shalt  }
.Lfunc_end2:
_tile_overlayer_lowered:
.L_overlay_start_2:
0x93: {  	(tag) =	ssettag $0x2  }
0x94: {  	s0 =	rddreg [dreg:$0x0];
	s2 =	stileid.u32  }
0x95: {  	s1 =	rddreg [dreg:$0x1];
	p0 =	sne.s32 s2, $0x0  }
0x96: {  	s3 =	rddreg [dreg:$0x2];
	[bflag:$0x3] =	sbarrier.arrive $0xFFFF;
	s2 =	simm.s32 @!p0 $0x1C02  }
0x97: {  	[timem:s3], [sflag:s2] =	dma.local @!p0 [hbm:s0], s1  }
0x98: {  	s0 =	simm.s32 @!p0 $0x2  }
0x99: {  	_ =	swait.ge @!p0 [sflag:s0], s1  }
0x9a: {  	s1 =	ssub.s32 @!p0 $0x0, s1;
	[sflag:s0] =	ssyncset.done @!p0 $0x0  }
0x9b: {  	[sflag:s0] =	ssyncadd.s32 @!p0 s1  }
0x9c: {  	[bflag:$0x3] =	sbarrier.arrive $0xFFFF  }
0x9d: {  	_ =	shalt  }

</sc_bundles>
